<compile_context>
chip_gen: v7x
topology: tpu7x:2x2x1
jax: 0.10.2.dev20260603
libtpu: 0.0.44.dev20260713+nightly
codegen_flags: <defaults>
</compile_context>

<pallas_src>
import functools

import jax
import jax.numpy as jnp
from jax import lax
from jax.experimental import pallas as pl
from jax.experimental.pallas import tpu as pltpu
from jax.experimental.pallas import tpu_sc as plsc

D = 768

_info = plsc.get_sparse_core_info()
_NC, _NS = _info.num_cores, _info.num_subcores
_NW = _NC * _NS
_NBUF = 8


def _make_gather(n_rows: int):
    rows_per_w = n_rows // _NW
    chunk = 8
    n_chunks = rows_per_w // chunk
    n_groups = n_chunks // _NBUF
    prime_rows = _NBUF * chunk
    mesh = plsc.VectorSubcoreMesh(core_axis_name="c", subcore_axis_name="s")

    @functools.partial(
        pl.kernel,
        out_type=jax.ShapeDtypeStruct((n_rows, D), jnp.float32),
        mesh=mesh,
        scratch_types=[
            pltpu.VMEM((rows_per_w,), jnp.int32),
        ]
        + [pltpu.VMEM((chunk, D), jnp.float32) for _ in range(_NBUF)]
        + [pltpu.SemaphoreType.DMA for _ in range(2 * _NBUF)],
    )
    def gather_kernel(idx_hbm, tbl_hbm, out_hbm, idx_v, *rest):
        bufs = rest[:_NBUF]
        gsem = rest[_NBUF : 2 * _NBUF]
        ssem = rest[2 * _NBUF :]
        wid = lax.axis_index("c") * _NS + lax.axis_index("s")
        base = wid * rows_per_w

        def gather_start(c, b):
            pltpu.make_async_copy(
                tbl_hbm.at[idx_v.at[pl.ds(c * chunk, chunk)]], bufs[b], gsem[b]
            ).start()

        def gather_wait(b):
            pltpu.make_async_copy(
                tbl_hbm.at[pl.ds(0, chunk)], bufs[b], gsem[b]
            ).wait()

        def store_start(c, b):
            pltpu.make_async_copy(
                bufs[b], out_hbm.at[pl.ds(base + c * chunk, chunk)], ssem[b]
            ).start()

        def store_wait(b):
            pltpu.make_async_copy(
                bufs[b], out_hbm.at[pl.ds(base, chunk)], ssem[b]
            ).wait()

        pltpu.sync_copy(
            idx_hbm.at[pl.ds(base, prime_rows)], idx_v.at[pl.ds(0, prime_rows)]
        )
        for b in range(_NBUF):
            gather_start(b, b)
        pltpu.sync_copy(
            idx_hbm.at[pl.ds(base + prime_rows, rows_per_w - prime_rows)],
            idx_v.at[pl.ds(prime_rows, rows_per_w - prime_rows)],
        )

        half = _NBUF // 2

        def body(i, carry):
            c0 = i * _NBUF
            for b in range(_NBUF):
                gather_wait(b)
                store_start(c0 + b, b)
                if b >= half:
                    bb = b - half
                    store_wait(bb)
                    gather_start(c0 + _NBUF + bb, bb)
            for bb in range(half, _NBUF):
                store_wait(bb)
                gather_start(c0 + _NBUF + bb, bb)
            return carry

        lax.fori_loop(0, n_groups - 1, body, 0)

        c0 = (n_groups - 1) * _NBUF
        for b in range(_NBUF):
            gather_wait(b)
            store_start(c0 + b, b)
        for b in range(_NBUF):
            store_wait(b)

    return gather_kernel


_gather = _make_gather(4 * 8192)


def kernel(x, weight):
    b, s = x.shape
    idx = x.reshape(-1).astype(jnp.int32)
    out = _gather(idx, weight)
    return out.reshape(b, s, D)

# --- scband reference (transcript-rebuilt; emitter-appended) ---
"""Pipeline reference for scband-subword-input-layer-9972914061397 (READ-ONLY COPY).

The authoritative reference and input builder live on the scoring server;
editing this copy changes nothing except your own understanding.
"""

import jax, jax.numpy as jnp
import numpy as np

VOCAB = 28996
D = 768
B = 4
S = 8192


def setup_inputs(seed: int = 0) -> dict:
    key = jax.random.key(seed)
    k1, k2 = jax.random.split(key)
    x = jax.random.randint(k1, (B, S), 0, VOCAB)
    weight = jax.random.normal(k2, (VOCAB, D), dtype=jnp.float32) * 0.02
    # padding_idx=0: nn.Embedding initializes the padding row to zeros
    weight = weight.at[0].set(0.0)
    return {"x": x, "weight": weight}


def reference(x, weight):
    # nn.Embedding(index_size, text_embed_dim, padding_idx=0).forward(x)
    # padding row is forced to zero (matches torch semantics where the
    # padding_idx row is zero and receives no gradient updates)
    w = weight.at[0].set(0.0)
    out = jnp.take(w, x, axis=0)
    return out

if __name__ == "__main__":
    import jax
    _d = setup_inputs()
    print(jax.jit(kernel)(*tuple(_d.values())))

</pallas_src>

<mosaic_0001>
#map = affine_map<(d0, d1) -> (0)>
#map1 = affine_map<(d0, d1) -> (0, 0)>
module attributes {stable_mosaic.version = 14 : i64} {
  func.func @gather_kernel(%arg0: i32, %arg1: i32, %arg2: memref<32768xi32, #tpu.memory_space<hbm>>, %arg3: memref<28996x768xf32, #tpu.memory_space<hbm>>, %arg4: memref<32768x768xf32, #tpu.memory_space<hbm>>, %arg5: memref<1024xi32, #tpu.memory_space<vmem>>, %arg6: memref<8x768xf32, #tpu.memory_space<vmem>>, %arg7: memref<8x768xf32, #tpu.memory_space<vmem>>, %arg8: memref<8x768xf32, #tpu.memory_space<vmem>>, %arg9: memref<8x768xf32, #tpu.memory_space<vmem>>, %arg10: memref<8x768xf32, #tpu.memory_space<vmem>>, %arg11: memref<8x768xf32, #tpu.memory_space<vmem>>, %arg12: memref<8x768xf32, #tpu.memory_space<vmem>>, %arg13: memref<8x768xf32, #tpu.memory_space<vmem>>, %arg14: memref<!tpu.dma_semaphore, #tpu.memory_space<semaphore_mem>>, %arg15: memref<!tpu.dma_semaphore, #tpu.memory_space<semaphore_mem>>, %arg16: memref<!tpu.dma_semaphore, #tpu.memory_space<semaphore_mem>>, %arg17: memref<!tpu.dma_semaphore, #tpu.memory_space<semaphore_mem>>, %arg18: memref<!tpu.dma_semaphore, #tpu.memory_space<semaphore_mem>>, %arg19: memref<!tpu.dma_semaphore, #tpu.memory_space<semaphore_mem>>, %arg20: memref<!tpu.dma_semaphore, #tpu.memory_space<semaphore_mem>>, %arg21: memref<!tpu.dma_semaphore, #tpu.memory_space<semaphore_mem>>, %arg22: memref<!tpu.dma_semaphore, #tpu.memory_space<semaphore_mem>>, %arg23: memref<!tpu.dma_semaphore, #tpu.memory_space<semaphore_mem>>, %arg24: memref<!tpu.dma_semaphore, #tpu.memory_space<semaphore_mem>>, %arg25: memref<!tpu.dma_semaphore, #tpu.memory_space<semaphore_mem>>, %arg26: memref<!tpu.dma_semaphore, #tpu.memory_space<semaphore_mem>>, %arg27: memref<!tpu.dma_semaphore, #tpu.memory_space<semaphore_mem>>, %arg28: memref<!tpu.dma_semaphore, #tpu.memory_space<semaphore_mem>>, %arg29: memref<!tpu.dma_semaphore, #tpu.memory_space<semaphore_mem>>) attributes {dimension_semantics = [#tpu.dimension_semantics<core_parallel>, #tpu.dimension_semantics<subcore_parallel>], iteration_bounds = array<i64: 2, 16>, scalar_prefetch = 0 : i64, scratch_operands = 25 : i64, tpu.core_type = #tpu.core_type<sc_vector_subcore>, window_params = [{transform_indices = #map}, {transform_indices = #map1}, {transform_indices = #map1}]} {
    %mul3A = arith.constant 16 : i32
    %mul3A_0 = arith.muli %arg0, %mul3A : i32
    %add3A = arith.addi %mul3A_0, %arg1 : i32
    %mul3A_1 = arith.constant 1024 : i32
    %mul3A_2 = arith.muli %add3A, %mul3A_1 : i32
    "tpu.region"() ({
      %run_scoped3A = tpu.sem_alloc : memref<!tpu.dma_semaphore, #tpu.memory_space<semaphore_mem>>
      %dma_start3A_176 = arith.constant 0 : i32
      %dma_start3A_177 = tpu.memref_slice %arg5[%dma_start3A_176] : memref<1024xi32, #tpu.memory_space<vmem>> -> memref<64xi32, #tpu.memory_space<vmem>>
      %dma_start3A_178 = tpu.memref_slice %arg2[%mul3A_2] : memref<32768xi32, #tpu.memory_space<hbm>> -> memref<64xi32, #tpu.memory_space<hbm>>
      %dma_start3A_179 = arith.constant 0 : i32
      %dma_start3A_180 = tpu.memref_slice %arg5[%dma_start3A_179] : memref<1024xi32, #tpu.memory_space<vmem>> -> memref<64xi32, #tpu.memory_space<vmem>>
      %dma_start3A_181 = tpu.memref_slice %arg2[%mul3A_2] : memref<32768xi32, #tpu.memory_space<hbm>> -> memref<64xi32, #tpu.memory_space<hbm>>
      tpu.enqueue_dma source(%dma_start3A_181 : memref<64xi32, #tpu.memory_space<hbm>>) target(%dma_start3A_180 : memref<64xi32, #tpu.memory_space<vmem>>) target_semaphore(%run_scoped3A : memref<!tpu.dma_semaphore, #tpu.memory_space<semaphore_mem>>)
      %dma_wait3A_182 = arith.constant 0 : i32
      %dma_wait3A_183 = tpu.memref_slice %arg5[%dma_wait3A_182] : memref<1024xi32, #tpu.memory_space<vmem>> -> memref<64xi32, #tpu.memory_space<vmem>>
      %dma_wait3A_184 = tpu.memref_slice %arg2[%mul3A_2] : memref<32768xi32, #tpu.memory_space<hbm>> -> memref<64xi32, #tpu.memory_space<hbm>>
      %dma_wait3A_185 = arith.constant 0 : i32
      %dma_wait3A_186 = tpu.memref_slice %arg5[%dma_wait3A_185] : memref<1024xi32, #tpu.memory_space<vmem>> -> memref<64xi32, #tpu.memory_space<vmem>>
      %dma_wait3A_187 = tpu.memref_slice %arg2[%mul3A_2] : memref<32768xi32, #tpu.memory_space<hbm>> -> memref<64xi32, #tpu.memory_space<hbm>>
      tpu.wait_dma2 semaphore(%run_scoped3A : memref<!tpu.dma_semaphore, #tpu.memory_space<semaphore_mem>>) src(%dma_wait3A_187 : memref<64xi32, #tpu.memory_space<hbm>>) dst(%dma_wait3A_186 : memref<64xi32, #tpu.memory_space<vmem>>)
      tpu.yield
    }) : () -> ()
    %dma_start3A = arith.constant 0 : i32
    %dma_start3A_3 = tpu.memref_slice %arg5[%dma_start3A] : memref<1024xi32, #tpu.memory_space<vmem>> -> memref<8xi32, #tpu.memory_space<vmem>>
    %dma_start3A_4 = arith.constant 0 : i32
    %dma_start3A_5 = arith.constant 0 : i32
    %dma_start3A_6 = tpu.memref_slice %arg3[%dma_start3A_4, %dma_start3A_5] : memref<28996x768xf32, #tpu.memory_space<hbm>> -> memref<28996x768xf32, #tpu.memory_space<hbm>>
    tpu.enqueue_indirect_dma source(%dma_start3A_6 : memref<28996x768xf32, #tpu.memory_space<hbm>>) target(%arg6 : memref<8x768xf32, #tpu.memory_space<vmem>>) offsets(%dma_start3A_3 : memref<8xi32, #tpu.memory_space<vmem>>) semaphore(%arg14 : memref<!tpu.dma_semaphore, #tpu.memory_space<semaphore_mem>>)
    %dma_start3A_7 = arith.constant 8 : i32
    %dma_start3A_8 = tpu.memref_slice %arg5[%dma_start3A_7] : memref<1024xi32, #tpu.memory_space<vmem>> -> memref<8xi32, #tpu.memory_space<vmem>>
    %dma_start3A_9 = arith.constant 0 : i32
    %dma_start3A_10 = arith.constant 0 : i32
    %dma_start3A_11 = tpu.memref_slice %arg3[%dma_start3A_9, %dma_start3A_10] : memref<28996x768xf32, #tpu.memory_space<hbm>> -> memref<28996x768xf32, #tpu.memory_space<hbm>>
    tpu.enqueue_indirect_dma source(%dma_start3A_11 : memref<28996x768xf32, #tpu.memory_space<hbm>>) target(%arg7 : memref<8x768xf32, #tpu.memory_space<vmem>>) offsets(%dma_start3A_8 : memref<8xi32, #tpu.memory_space<vmem>>) semaphore(%arg15 : memref<!tpu.dma_semaphore, #tpu.memory_space<semaphore_mem>>)
    %dma_start3A_12 = arith.constant 16 : i32
    %dma_start3A_13 = tpu.memref_slice %arg5[%dma_start3A_12] : memref<1024xi32, #tpu.memory_space<vmem>> -> memref<8xi32, #tpu.memory_space<vmem>>
    %dma_start3A_14 = arith.constant 0 : i32
    %dma_start3A_15 = arith.constant 0 : i32
    %dma_start3A_16 = tpu.memref_slice %arg3[%dma_start3A_14, %dma_start3A_15] : memref<28996x768xf32, #tpu.memory_space<hbm>> -> memref<28996x768xf32, #tpu.memory_space<hbm>>
    tpu.enqueue_indirect_dma source(%dma_start3A_16 : memref<28996x768xf32, #tpu.memory_space<hbm>>) target(%arg8 : memref<8x768xf32, #tpu.memory_space<vmem>>) offsets(%dma_start3A_13 : memref<8xi32, #tpu.memory_space<vmem>>) semaphore(%arg16 : memref<!tpu.dma_semaphore, #tpu.memory_space<semaphore_mem>>)
    %dma_start3A_17 = arith.constant 24 : i32
    %dma_start3A_18 = tpu.memref_slice %arg5[%dma_start3A_17] : memref<1024xi32, #tpu.memory_space<vmem>> -> memref<8xi32, #tpu.memory_space<vmem>>
    %dma_start3A_19 = arith.constant 0 : i32
    %dma_start3A_20 = arith.constant 0 : i32
    %dma_start3A_21 = tpu.memref_slice %arg3[%dma_start3A_19, %dma_start3A_20] : memref<28996x768xf32, #tpu.memory_space<hbm>> -> memref<28996x768xf32, #tpu.memory_space<hbm>>
    tpu.enqueue_indirect_dma source(%dma_start3A_21 : memref<28996x768xf32, #tpu.memory_space<hbm>>) target(%arg9 : memref<8x768xf32, #tpu.memory_space<vmem>>) offsets(%dma_start3A_18 : memref<8xi32, #tpu.memory_space<vmem>>) semaphore(%arg17 : memref<!tpu.dma_semaphore, #tpu.memory_space<semaphore_mem>>)
    %dma_start3A_22 = arith.constant 32 : i32
    %dma_start3A_23 = tpu.memref_slice %arg5[%dma_start3A_22] : memref<1024xi32, #tpu.memory_space<vmem>> -> memref<8xi32, #tpu.memory_space<vmem>>
    %dma_start3A_24 = arith.constant 0 : i32
    %dma_start3A_25 = arith.constant 0 : i32
    %dma_start3A_26 = tpu.memref_slice %arg3[%dma_start3A_24, %dma_start3A_25] : memref<28996x768xf32, #tpu.memory_space<hbm>> -> memref<28996x768xf32, #tpu.memory_space<hbm>>
    tpu.enqueue_indirect_dma source(%dma_start3A_26 : memref<28996x768xf32, #tpu.memory_space<hbm>>) target(%arg10 : memref<8x768xf32, #tpu.memory_space<vmem>>) offsets(%dma_start3A_23 : memref<8xi32, #tpu.memory_space<vmem>>) semaphore(%arg18 : memref<!tpu.dma_semaphore, #tpu.memory_space<semaphore_mem>>)
    %dma_start3A_27 = arith.constant 40 : i32
    %dma_start3A_28 = tpu.memref_slice %arg5[%dma_start3A_27] : memref<1024xi32, #tpu.memory_space<vmem>> -> memref<8xi32, #tpu.memory_space<vmem>>
    %dma_start3A_29 = arith.constant 0 : i32
    %dma_start3A_30 = arith.constant 0 : i32
    %dma_start3A_31 = tpu.memref_slice %arg3[%dma_start3A_29, %dma_start3A_30] : memref<28996x768xf32, #tpu.memory_space<hbm>> -> memref<28996x768xf32, #tpu.memory_space<hbm>>
    tpu.enqueue_indirect_dma source(%dma_start3A_31 : memref<28996x768xf32, #tpu.memory_space<hbm>>) target(%arg11 : memref<8x768xf32, #tpu.memory_space<vmem>>) offsets(%dma_start3A_28 : memref<8xi32, #tpu.memory_space<vmem>>) semaphore(%arg19 : memref<!tpu.dma_semaphore, #tpu.memory_space<semaphore_mem>>)
    %dma_start3A_32 = arith.constant 48 : i32
    %dma_start3A_33 = tpu.memref_slice %arg5[%dma_start3A_32] : memref<1024xi32, #tpu.memory_space<vmem>> -> memref<8xi32, #tpu.memory_space<vmem>>
    %dma_start3A_34 = arith.constant 0 : i32
    %dma_start3A_35 = arith.constant 0 : i32
    %dma_start3A_36 = tpu.memref_slice %arg3[%dma_start3A_34, %dma_start3A_35] : memref<28996x768xf32, #tpu.memory_space<hbm>> -> memref<28996x768xf32, #tpu.memory_space<hbm>>
    tpu.enqueue_indirect_dma source(%dma_start3A_36 : memref<28996x768xf32, #tpu.memory_space<hbm>>) target(%arg12 : memref<8x768xf32, #tpu.memory_space<vmem>>) offsets(%dma_start3A_33 : memref<8xi32, #tpu.memory_space<vmem>>) semaphore(%arg20 : memref<!tpu.dma_semaphore, #tpu.memory_space<semaphore_mem>>)
    %dma_start3A_37 = arith.constant 56 : i32
    %dma_start3A_38 = tpu.memref_slice %arg5[%dma_start3A_37] : memref<1024xi32, #tpu.memory_space<vmem>> -> memref<8xi32, #tpu.memory_space<vmem>>
    %dma_start3A_39 = arith.constant 0 : i32
    %dma_start3A_40 = arith.constant 0 : i32
    %dma_start3A_41 = tpu.memref_slice %arg3[%dma_start3A_39, %dma_start3A_40] : memref<28996x768xf32, #tpu.memory_space<hbm>> -> memref<28996x768xf32, #tpu.memory_space<hbm>>
    tpu.enqueue_indirect_dma source(%dma_start3A_41 : memref<28996x768xf32, #tpu.memory_space<hbm>>) target(%arg13 : memref<8x768xf32, #tpu.memory_space<vmem>>) offsets(%dma_start3A_38 : memref<8xi32, #tpu.memory_space<vmem>>) semaphore(%arg21 : memref<!tpu.dma_semaphore, #tpu.memory_space<semaphore_mem>>)
    %add3A_42 = arith.constant 64 : i32
    %add3A_43 = arith.addi %mul3A_2, %add3A_42 : i32
    "tpu.region"() ({
      %run_scoped3A = tpu.sem_alloc : memref<!tpu.dma_semaphore, #tpu.memory_space<semaphore_mem>>
      %dma_start3A_176 = arith.constant 64 : i32
      %dma_start3A_177 = tpu.memref_slice %arg5[%dma_start3A_176] : memref<1024xi32, #tpu.memory_space<vmem>> -> memref<960xi32, #tpu.memory_space<vmem>>
      %dma_start3A_178 = tpu.memref_slice %arg2[%add3A_43] : memref<32768xi32, #tpu.memory_space<hbm>> -> memref<960xi32, #tpu.memory_space<hbm>>
      %dma_start3A_179 = arith.constant 64 : i32
      %dma_start3A_180 = tpu.memref_slice %arg5[%dma_start3A_179] : memref<1024xi32, #tpu.memory_space<vmem>> -> memref<960xi32, #tpu.memory_space<vmem>>
      %dma_start3A_181 = tpu.memref_slice %arg2[%add3A_43] : memref<32768xi32, #tpu.memory_space<hbm>> -> memref<960xi32, #tpu.memory_space<hbm>>
      tpu.enqueue_dma source(%dma_start3A_181 : memref<960xi32, #tpu.memory_space<hbm>>) target(%dma_start3A_180 : memref<960xi32, #tpu.memory_space<vmem>>) target_semaphore(%run_scoped3A : memref<!tpu.dma_semaphore, #tpu.memory_space<semaphore_mem>>)
      %dma_wait3A_182 = arith.constant 64 : i32
      %dma_wait3A_183 = tpu.memref_slice %arg5[%dma_wait3A_182] : memref<1024xi32, #tpu.memory_space<vmem>> -> memref<960xi32, #tpu.memory_space<vmem>>
      %dma_wait3A_184 = tpu.memref_slice %arg2[%add3A_43] : memref<32768xi32, #tpu.memory_space<hbm>> -> memref<960xi32, #tpu.memory_space<hbm>>
      %dma_wait3A_185 = arith.constant 64 : i32
      %dma_wait3A_186 = tpu.memref_slice %arg5[%dma_wait3A_185] : memref<1024xi32, #tpu.memory_space<vmem>> -> memref<960xi32, #tpu.memory_space<vmem>>
      %dma_wait3A_187 = tpu.memref_slice %arg2[%add3A_43] : memref<32768xi32, #tpu.memory_space<hbm>> -> memref<960xi32, #tpu.memory_space<hbm>>
      tpu.wait_dma2 semaphore(%run_scoped3A : memref<!tpu.dma_semaphore, #tpu.memory_space<semaphore_mem>>) src(%dma_wait3A_187 : memref<960xi32, #tpu.memory_space<hbm>>) dst(%dma_wait3A_186 : memref<960xi32, #tpu.memory_space<vmem>>)
      tpu.yield
    }) : () -> ()
    %scan3A = arith.constant 0 : i32
    %scan3A_44 = arith.constant 0 : i32
    %scan3A_45 = arith.constant 15 : i32
    %scan3A_46 = arith.addi %scan3A_44, %scan3A_45 : i32
    %scan3A_47 = arith.constant 1 : i32
    scf.for %scan3A_176 = %scan3A_44 to %scan3A_46 step %scan3A_47  : i32 {
      %mul3A_177 = arith.constant 8 : i32
      %mul3A_178 = arith.muli %scan3A_176, %mul3A_177 : i32
      %dma_wait3A_179 = arith.constant 0 : i32
      %dma_wait3A_180 = arith.constant 0 : i32
      %dma_wait3A_181 = tpu.memref_slice %arg3[%dma_wait3A_179, %dma_wait3A_180] : memref<28996x768xf32, #tpu.memory_space<hbm>> -> memref<8x768xf32, #tpu.memory_space<hbm>>
      %dma_wait3A_182 = arith.constant 0 : i32
      %dma_wait3A_183 = arith.constant 0 : i32
      %dma_wait3A_184 = tpu.memref_slice %arg3[%dma_wait3A_182, %dma_wait3A_183] : memref<28996x768xf32, #tpu.memory_space<hbm>> -> memref<8x768xf32, #tpu.memory_space<hbm>>
      tpu.wait_dma2 semaphore(%arg14 : memref<!tpu.dma_semaphore, #tpu.memory_space<semaphore_mem>>) src(%dma_wait3A_184 : memref<8x768xf32, #tpu.memory_space<hbm>>) dst(%arg6 : memref<8x768xf32, #tpu.memory_space<vmem>>)
      %add3A_185 = arith.constant 0 : i32
      %add3A_186 = arith.addi %mul3A_178, %add3A_185 : i32
      %mul3A_187 = arith.constant 8 : i32
      %mul3A_188 = arith.muli %add3A_186, %mul3A_187 : i32
      %add3A_189 = arith.addi %mul3A_2, %mul3A_188 : i32
      %dma_start3A_190 = arith.constant 0 : i32
      %dma_start3A_191 = tpu.memref_slice %arg4[%add3A_189, %dma_start3A_190] : memref<32768x768xf32, #tpu.memory_space<hbm>> -> memref<8x768xf32, #tpu.memory_space<hbm>>
      %dma_start3A_192 = arith.constant 0 : i32
      %dma_start3A_193 = tpu.memref_slice %arg4[%add3A_189, %dma_start3A_192] : memref<32768x768xf32, #tpu.memory_space<hbm>> -> memref<8x768xf32, #tpu.memory_space<hbm>>
      tpu.enqueue_dma source(%arg6 : memref<8x768xf32, #tpu.memory_space<vmem>>) target(%dma_start3A_193 : memref<8x768xf32, #tpu.memory_space<hbm>>) target_semaphore(%arg22 : memref<!tpu.dma_semaphore, #tpu.memory_space<semaphore_mem>>)
      %dma_wait3A_194 = arith.constant 0 : i32
      %dma_wait3A_195 = arith.constant 0 : i32
      %dma_wait3A_196 = tpu.memref_slice %arg3[%dma_wait3A_194, %dma_wait3A_195] : memref<28996x768xf32, #tpu.memory_space<hbm>> -> memref<8x768xf32, #tpu.memory_space<hbm>>
      %dma_wait3A_197 = arith.constant 0 : i32
      %dma_wait3A_198 = arith.constant 0 : i32
      %dma_wait3A_199 = tpu.memref_slice %arg3[%dma_wait3A_197, %dma_wait3A_198] : memref<28996x768xf32, #tpu.memory_space<hbm>> -> memref<8x768xf32, #tpu.memory_space<hbm>>
      tpu.wait_dma2 semaphore(%arg15 : memref<!tpu.dma_semaphore, #tpu.memory_space<semaphore_mem>>) src(%dma_wait3A_199 : memref<8x768xf32, #tpu.memory_space<hbm>>) dst(%arg7 : memref<8x768xf32, #tpu.memory_space<vmem>>)
      %add3A_200 = arith.constant 1 : i32
      %add3A_201 = arith.addi %mul3A_178, %add3A_200 : i32
      %mul3A_202 = arith.constant 8 : i32
      %mul3A_203 = arith.muli %add3A_201, %mul3A_202 : i32
      %add3A_204 = arith.addi %mul3A_2, %mul3A_203 : i32
      %dma_start3A_205 = arith.constant 0 : i32
      %dma_start3A_206 = tpu.memref_slice %arg4[%add3A_204, %dma_start3A_205] : memref<32768x768xf32, #tpu.memory_space<hbm>> -> memref<8x768xf32, #tpu.memory_space<hbm>>
      %dma_start3A_207 = arith.constant 0 : i32
      %dma_start3A_208 = tpu.memref_slice %arg4[%add3A_204, %dma_start3A_207] : memref<32768x768xf32, #tpu.memory_space<hbm>> -> memref<8x768xf32, #tpu.memory_space<hbm>>
      tpu.enqueue_dma source(%arg7 : memref<8x768xf32, #tpu.memory_space<vmem>>) target(%dma_start3A_208 : memref<8x768xf32, #tpu.memory_space<hbm>>) target_semaphore(%arg23 : memref<!tpu.dma_semaphore, #tpu.memory_space<semaphore_mem>>)
      %dma_wait3A_209 = arith.constant 0 : i32
      %dma_wait3A_210 = arith.constant 0 : i32
      %dma_wait3A_211 = tpu.memref_slice %arg3[%dma_wait3A_209, %dma_wait3A_210] : memref<28996x768xf32, #tpu.memory_space<hbm>> -> memref<8x768xf32, #tpu.memory_space<hbm>>
      %dma_wait3A_212 = arith.constant 0 : i32
      %dma_wait3A_213 = arith.constant 0 : i32
      %dma_wait3A_214 = tpu.memref_slice %arg3[%dma_wait3A_212, %dma_wait3A_213] : memref<28996x768xf32, #tpu.memory_space<hbm>> -> memref<8x768xf32, #tpu.memory_space<hbm>>
      tpu.wait_dma2 semaphore(%arg16 : memref<!tpu.dma_semaphore, #tpu.memory_space<semaphore_mem>>) src(%dma_wait3A_214 : memref<8x768xf32, #tpu.memory_space<hbm>>) dst(%arg8 : memref<8x768xf32, #tpu.memory_space<vmem>>)
      %add3A_215 = arith.constant 2 : i32
      %add3A_216 = arith.addi %mul3A_178, %add3A_215 : i32
      %mul3A_217 = arith.constant 8 : i32
      %mul3A_218 = arith.muli %add3A_216, %mul3A_217 : i32
      %add3A_219 = arith.addi %mul3A_2, %mul3A_218 : i32
      %dma_start3A_220 = arith.constant 0 : i32
      %dma_start3A_221 = tpu.memref_slice %arg4[%add3A_219, %dma_start3A_220] : memref<32768x768xf32, #tpu.memory_space<hbm>> -> memref<8x768xf32, #tpu.memory_space<hbm>>
      %dma_start3A_222 = arith.constant 0 : i32
      %dma_start3A_223 = tpu.memref_slice %arg4[%add3A_219, %dma_start3A_222] : memref<32768x768xf32, #tpu.memory_space<hbm>> -> memref<8x768xf32, #tpu.memory_space<hbm>>
      tpu.enqueue_dma source(%arg8 : memref<8x768xf32, #tpu.memory_space<vmem>>) target(%dma_start3A_223 : memref<8x768xf32, #tpu.memory_space<hbm>>) target_semaphore(%arg24 : memref<!tpu.dma_semaphore, #tpu.memory_space<semaphore_mem>>)
      %dma_wait3A_224 = arith.constant 0 : i32
      %dma_wait3A_225 = arith.constant 0 : i32
      %dma_wait3A_226 = tpu.memref_slice %arg3[%dma_wait3A_224, %dma_wait3A_225] : memref<28996x768xf32, #tpu.memory_space<hbm>> -> memref<8x768xf32, #tpu.memory_space<hbm>>
      %dma_wait3A_227 = arith.constant 0 : i32
      %dma_wait3A_228 = arith.constant 0 : i32
      %dma_wait3A_229 = tpu.memref_slice %arg3[%dma_wait3A_227, %dma_wait3A_228] : memref<28996x768xf32, #tpu.memory_space<hbm>> -> memref<8x768xf32, #tpu.memory_space<hbm>>
      tpu.wait_dma2 semaphore(%arg17 : memref<!tpu.dma_semaphore, #tpu.memory_space<semaphore_mem>>) src(%dma_wait3A_229 : memref<8x768xf32, #tpu.memory_space<hbm>>) dst(%arg9 : memref<8x768xf32, #tpu.memory_space<vmem>>)
      %add3A_230 = arith.constant 3 : i32
      %add3A_231 = arith.addi %mul3A_178, %add3A_230 : i32
      %mul3A_232 = arith.constant 8 : i32
      %mul3A_233 = arith.muli %add3A_231, %mul3A_232 : i32
      %add3A_234 = arith.addi %mul3A_2, %mul3A_233 : i32
      %dma_start3A_235 = arith.constant 0 : i32
      %dma_start3A_236 = tpu.memref_slice %arg4[%add3A_234, %dma_start3A_235] : memref<32768x768xf32, #tpu.memory_space<hbm>> -> memref<8x768xf32, #tpu.memory_space<hbm>>
      %dma_start3A_237 = arith.constant 0 : i32
      %dma_start3A_238 = tpu.memref_slice %arg4[%add3A_234, %dma_start3A_237] : memref<32768x768xf32, #tpu.memory_space<hbm>> -> memref<8x768xf32, #tpu.memory_space<hbm>>
      tpu.enqueue_dma source(%arg9 : memref<8x768xf32, #tpu.memory_space<vmem>>) target(%dma_start3A_238 : memref<8x768xf32, #tpu.memory_space<hbm>>) target_semaphore(%arg25 : memref<!tpu.dma_semaphore, #tpu.memory_space<semaphore_mem>>)
      %dma_wait3A_239 = arith.constant 0 : i32
      %dma_wait3A_240 = arith.constant 0 : i32
      %dma_wait3A_241 = tpu.memref_slice %arg3[%dma_wait3A_239, %dma_wait3A_240] : memref<28996x768xf32, #tpu.memory_space<hbm>> -> memref<8x768xf32, #tpu.memory_space<hbm>>
      %dma_wait3A_242 = arith.constant 0 : i32
      %dma_wait3A_243 = arith.constant 0 : i32
      %dma_wait3A_244 = tpu.memref_slice %arg3[%dma_wait3A_242, %dma_wait3A_243] : memref<28996x768xf32, #tpu.memory_space<hbm>> -> memref<8x768xf32, #tpu.memory_space<hbm>>
      tpu.wait_dma2 semaphore(%arg18 : memref<!tpu.dma_semaphore, #tpu.memory_space<semaphore_mem>>) src(%dma_wait3A_244 : memref<8x768xf32, #tpu.memory_space<hbm>>) dst(%arg10 : memref<8x768xf32, #tpu.memory_space<vmem>>)
      %add3A_245 = arith.constant 4 : i32
      %add3A_246 = arith.addi %mul3A_178, %add3A_245 : i32
      %mul3A_247 = arith.constant 8 : i32
      %mul3A_248 = arith.muli %add3A_246, %mul3A_247 : i32
      %add3A_249 = arith.addi %mul3A_2, %mul3A_248 : i32
      %dma_start3A_250 = arith.constant 0 : i32
      %dma_start3A_251 = tpu.memref_slice %arg4[%add3A_249, %dma_start3A_250] : memref<32768x768xf32, #tpu.memory_space<hbm>> -> memref<8x768xf32, #tpu.memory_space<hbm>>
      %dma_start3A_252 = arith.constant 0 : i32
      %dma_start3A_253 = tpu.memref_slice %arg4[%add3A_249, %dma_start3A_252] : memref<32768x768xf32, #tpu.memory_space<hbm>> -> memref<8x768xf32, #tpu.memory_space<hbm>>
      tpu.enqueue_dma source(%arg10 : memref<8x768xf32, #tpu.memory_space<vmem>>) target(%dma_start3A_253 : memref<8x768xf32, #tpu.memory_space<hbm>>) target_semaphore(%arg26 : memref<!tpu.dma_semaphore, #tpu.memory_space<semaphore_mem>>)
      %dma_wait3A_254 = arith.constant 0 : i32
      %dma_wait3A_255 = tpu.memref_slice %arg4[%mul3A_2, %dma_wait3A_254] : memref<32768x768xf32, #tpu.memory_space<hbm>> -> memref<8x768xf32, #tpu.memory_space<hbm>>
      %dma_wait3A_256 = arith.constant 0 : i32
      %dma_wait3A_257 = tpu.memref_slice %arg4[%mul3A_2, %dma_wait3A_256] : memref<32768x768xf32, #tpu.memory_space<hbm>> -> memref<8x768xf32, #tpu.memory_space<hbm>>
      tpu.wait_dma2 semaphore(%arg22 : memref<!tpu.dma_semaphore, #tpu.memory_space<semaphore_mem>>) src(%arg6 : memref<8x768xf32, #tpu.memory_space<vmem>>) dst(%dma_wait3A_257 : memref<8x768xf32, #tpu.memory_space<hbm>>)
      %add3A_258 = arith.constant 8 : i32
      %add3A_259 = arith.addi %mul3A_178, %add3A_258 : i32
      %add3A_260 = arith.constant 0 : i32
      %add3A_261 = arith.addi %add3A_259, %add3A_260 : i32
      %mul3A_262 = arith.constant 8 : i32
      %mul3A_263 = arith.muli %add3A_261, %mul3A_262 : i32
      %dma_start3A_264 = tpu.memref_slice %arg5[%mul3A_263] : memref<1024xi32, #tpu.memory_space<vmem>> -> memref<8xi32, #tpu.memory_space<vmem>>
      %dma_start3A_265 = arith.constant 0 : i32
      %dma_start3A_266 = arith.constant 0 : i32
      %dma_start3A_267 = tpu.memref_slice %arg3[%dma_start3A_265, %dma_start3A_266] : memref<28996x768xf32, #tpu.memory_space<hbm>> -> memref<28996x768xf32, #tpu.memory_space<hbm>>
      tpu.enqueue_indirect_dma source(%dma_start3A_267 : memref<28996x768xf32, #tpu.memory_space<hbm>>) target(%arg6 : memref<8x768xf32, #tpu.memory_space<vmem>>) offsets(%dma_start3A_264 : memref<8xi32, #tpu.memory_space<vmem>>) semaphore(%arg14 : memref<!tpu.dma_semaphore, #tpu.memory_space<semaphore_mem>>)
      %dma_wait3A_268 = arith.constant 0 : i32
      %dma_wait3A_269 = arith.constant 0 : i32
      %dma_wait3A_270 = tpu.memref_slice %arg3[%dma_wait3A_268, %dma_wait3A_269] : memref<28996x768xf32, #tpu.memory_space<hbm>> -> memref<8x768xf32, #tpu.memory_space<hbm>>
      %dma_wait3A_271 = arith.constant 0 : i32
      %dma_wait3A_272 = arith.constant 0 : i32
      %dma_wait3A_273 = tpu.memref_slice %arg3[%dma_wait3A_271, %dma_wait3A_272] : memref<28996x768xf32, #tpu.memory_space<hbm>> -> memref<8x768xf32, #tpu.memory_space<hbm>>
      tpu.wait_dma2 semaphore(%arg19 : memref<!tpu.dma_semaphore, #tpu.memory_space<semaphore_mem>>) src(%dma_wait3A_273 : memref<8x768xf32, #tpu.memory_space<hbm>>) dst(%arg11 : memref<8x768xf32, #tpu.memory_space<vmem>>)
      %add3A_274 = arith.constant 5 : i32
      %add3A_275 = arith.addi %mul3A_178, %add3A_274 : i32
      %mul3A_276 = arith.constant 8 : i32
      %mul3A_277 = arith.muli %add3A_275, %mul3A_276 : i32
      %add3A_278 = arith.addi %mul3A_2, %mul3A_277 : i32
      %dma_start3A_279 = arith.constant 0 : i32
      %dma_start3A_280 = tpu.memref_slice %arg4[%add3A_278, %dma_start3A_279] : memref<32768x768xf32, #tpu.memory_space<hbm>> -> memref<8x768xf32, #tpu.memory_space<hbm>>
      %dma_start3A_281 = arith.constant 0 : i32
      %dma_start3A_282 = tpu.memref_slice %arg4[%add3A_278, %dma_start3A_281] : memref<32768x768xf32, #tpu.memory_space<hbm>> -> memref<8x768xf32, #tpu.memory_space<hbm>>
      tpu.enqueue_dma source(%arg11 : memref<8x768xf32, #tpu.memory_space<vmem>>) target(%dma_start3A_282 : memref<8x768xf32, #tpu.memory_space<hbm>>) target_semaphore(%arg27 : memref<!tpu.dma_semaphore, #tpu.memory_space<semaphore_mem>>)
      %dma_wait3A_283 = arith.constant 0 : i32
      %dma_wait3A_284 = tpu.memref_slice %arg4[%mul3A_2, %dma_wait3A_283] : memref<32768x768xf32, #tpu.memory_space<hbm>> -> memref<8x768xf32, #tpu.memory_space<hbm>>
      %dma_wait3A_285 = arith.constant 0 : i32
      %dma_wait3A_286 = tpu.memref_slice %arg4[%mul3A_2, %dma_wait3A_285] : memref<32768x768xf32, #tpu.memory_space<hbm>> -> memref<8x768xf32, #tpu.memory_space<hbm>>
      tpu.wait_dma2 semaphore(%arg23 : memref<!tpu.dma_semaphore, #tpu.memory_space<semaphore_mem>>) src(%arg7 : memref<8x768xf32, #tpu.memory_space<vmem>>) dst(%dma_wait3A_286 : memref<8x768xf32, #tpu.memory_space<hbm>>)
      %add3A_287 = arith.constant 8 : i32
      %add3A_288 = arith.addi %mul3A_178, %add3A_287 : i32
      %add3A_289 = arith.constant 1 : i32
      %add3A_290 = arith.addi %add3A_288, %add3A_289 : i32
      %mul3A_291 = arith.constant 8 : i32
      %mul3A_292 = arith.muli %add3A_290, %mul3A_291 : i32
      %dma_start3A_293 = tpu.memref_slice %arg5[%mul3A_292] : memref<1024xi32, #tpu.memory_space<vmem>> -> memref<8xi32, #tpu.memory_space<vmem>>
      %dma_start3A_294 = arith.constant 0 : i32
      %dma_start3A_295 = arith.constant 0 : i32
      %dma_start3A_296 = tpu.memref_slice %arg3[%dma_start3A_294, %dma_start3A_295] : memref<28996x768xf32, #tpu.memory_space<hbm>> -> memref<28996x768xf32, #tpu.memory_space<hbm>>
      tpu.enqueue_indirect_dma source(%dma_start3A_296 : memref<28996x768xf32, #tpu.memory_space<hbm>>) target(%arg7 : memref<8x768xf32, #tpu.memory_space<vmem>>) offsets(%dma_start3A_293 : memref<8xi32, #tpu.memory_space<vmem>>) semaphore(%arg15 : memref<!tpu.dma_semaphore, #tpu.memory_space<semaphore_mem>>)
      %dma_wait3A_297 = arith.constant 0 : i32
      %dma_wait3A_298 = arith.constant 0 : i32
      %dma_wait3A_299 = tpu.memref_slice %arg3[%dma_wait3A_297, %dma_wait3A_298] : memref<28996x768xf32, #tpu.memory_space<hbm>> -> memref<8x768xf32, #tpu.memory_space<hbm>>
      %dma_wait3A_300 = arith.constant 0 : i32
      %dma_wait3A_301 = arith.constant 0 : i32
      %dma_wait3A_302 = tpu.memref_slice %arg3[%dma_wait3A_300, %dma_wait3A_301] : memref<28996x768xf32, #tpu.memory_space<hbm>> -> memref<8x768xf32, #tpu.memory_space<hbm>>
      tpu.wait_dma2 semaphore(%arg20 : memref<!tpu.dma_semaphore, #tpu.memory_space<semaphore_mem>>) src(%dma_wait3A_302 : memref<8x768xf32, #tpu.memory_space<hbm>>) dst(%arg12 : memref<8x768xf32, #tpu.memory_space<vmem>>)
      %add3A_303 = arith.constant 6 : i32
      %add3A_304 = arith.addi %mul3A_178, %add3A_303 : i32
      %mul3A_305 = arith.constant 8 : i32
      %mul3A_306 = arith.muli %add3A_304, %mul3A_305 : i32
      %add3A_307 = arith.addi %mul3A_2, %mul3A_306 : i32
      %dma_start3A_308 = arith.constant 0 : i32
      %dma_start3A_309 = tpu.memref_slice %arg4[%add3A_307, %dma_start3A_308] : memref<32768x768xf32, #tpu.memory_space<hbm>> -> memref<8x768xf32, #tpu.memory_space<hbm>>
      %dma_start3A_310 = arith.constant 0 : i32
      %dma_start3A_311 = tpu.memref_slice %arg4[%add3A_307, %dma_start3A_310] : memref<32768x768xf32, #tpu.memory_space<hbm>> -> memref<8x768xf32, #tpu.memory_space<hbm>>
      tpu.enqueue_dma source(%arg12 : memref<8x768xf32, #tpu.memory_space<vmem>>) target(%dma_start3A_311 : memref<8x768xf32, #tpu.memory_space<hbm>>) target_semaphore(%arg28 : memref<!tpu.dma_semaphore, #tpu.memory_space<semaphore_mem>>)
      %dma_wait3A_312 = arith.constant 0 : i32
      %dma_wait3A_313 = tpu.memref_slice %arg4[%mul3A_2, %dma_wait3A_312] : memref<32768x768xf32, #tpu.memory_space<hbm>> -> memref<8x768xf32, #tpu.memory_space<hbm>>
      %dma_wait3A_314 = arith.constant 0 : i32
      %dma_wait3A_315 = tpu.memref_slice %arg4[%mul3A_2, %dma_wait3A_314] : memref<32768x768xf32, #tpu.memory_space<hbm>> -> memref<8x768xf32, #tpu.memory_space<hbm>>
      tpu.wait_dma2 semaphore(%arg24 : memref<!tpu.dma_semaphore, #tpu.memory_space<semaphore_mem>>) src(%arg8 : memref<8x768xf32, #tpu.memory_space<vmem>>) dst(%dma_wait3A_315 : memref<8x768xf32, #tpu.memory_space<hbm>>)
      %add3A_316 = arith.constant 8 : i32
      %add3A_317 = arith.addi %mul3A_178, %add3A_316 : i32
      %add3A_318 = arith.constant 2 : i32
      %add3A_319 = arith.addi %add3A_317, %add3A_318 : i32
      %mul3A_320 = arith.constant 8 : i32
      %mul3A_321 = arith.muli %add3A_319, %mul3A_320 : i32
      %dma_start3A_322 = tpu.memref_slice %arg5[%mul3A_321] : memref<1024xi32, #tpu.memory_space<vmem>> -> memref<8xi32, #tpu.memory_space<vmem>>
      %dma_start3A_323 = arith.constant 0 : i32
      %dma_start3A_324 = arith.constant 0 : i32
      %dma_start3A_325 = tpu.memref_slice %arg3[%dma_start3A_323, %dma_start3A_324] : memref<28996x768xf32, #tpu.memory_space<hbm>> -> memref<28996x768xf32, #tpu.memory_space<hbm>>
      tpu.enqueue_indirect_dma source(%dma_start3A_325 : memref<28996x768xf32, #tpu.memory_space<hbm>>) target(%arg8 : memref<8x768xf32, #tpu.memory_space<vmem>>) offsets(%dma_start3A_322 : memref<8xi32, #tpu.memory_space<vmem>>) semaphore(%arg16 : memref<!tpu.dma_semaphore, #tpu.memory_space<semaphore_mem>>)
      %dma_wait3A_326 = arith.constant 0 : i32
      %dma_wait3A_327 = arith.constant 0 : i32
      %dma_wait3A_328 = tpu.memref_slice %arg3[%dma_wait3A_326, %dma_wait3A_327] : memref<28996x768xf32, #tpu.memory_space<hbm>> -> memref<8x768xf32, #tpu.memory_space<hbm>>
      %dma_wait3A_329 = arith.constant 0 : i32
      %dma_wait3A_330 = arith.constant 0 : i32
      %dma_wait3A_331 = tpu.memref_slice %arg3[%dma_wait3A_329, %dma_wait3A_330] : memref<28996x768xf32, #tpu.memory_space<hbm>> -> memref<8x768xf32, #tpu.memory_space<hbm>>
      tpu.wait_dma2 semaphore(%arg21 : memref<!tpu.dma_semaphore, #tpu.memory_space<semaphore_mem>>) src(%dma_wait3A_331 : memref<8x768xf32, #tpu.memory_space<hbm>>) dst(%arg13 : memref<8x768xf32, #tpu.memory_space<vmem>>)
      %add3A_332 = arith.constant 7 : i32
      %add3A_333 = arith.addi %mul3A_178, %add3A_332 : i32
      %mul3A_334 = arith.constant 8 : i32
      %mul3A_335 = arith.muli %add3A_333, %mul3A_334 : i32
      %add3A_336 = arith.addi %mul3A_2, %mul3A_335 : i32
      %dma_start3A_337 = arith.constant 0 : i32
      %dma_start3A_338 = tpu.memref_slice %arg4[%add3A_336, %dma_start3A_337] : memref<32768x768xf32, #tpu.memory_space<hbm>> -> memref<8x768xf32, #tpu.memory_space<hbm>>
      %dma_start3A_339 = arith.constant 0 : i32
      %dma_start3A_340 = tpu.memref_slice %arg4[%add3A_336, %dma_start3A_339] : memref<32768x768xf32, #tpu.memory_space<hbm>> -> memref<8x768xf32, #tpu.memory_space<hbm>>
      tpu.enqueue_dma source(%arg13 : memref<8x768xf32, #tpu.memory_space<vmem>>) target(%dma_start3A_340 : memref<8x768xf32, #tpu.memory_space<hbm>>) target_semaphore(%arg29 : memref<!tpu.dma_semaphore, #tpu.memory_space<semaphore_mem>>)
      %dma_wait3A_341 = arith.constant 0 : i32
      %dma_wait3A_342 = tpu.memref_slice %arg4[%mul3A_2, %dma_wait3A_341] : memref<32768x768xf32, #tpu.memory_space<hbm>> -> memref<8x768xf32, #tpu.memory_space<hbm>>
      %dma_wait3A_343 = arith.constant 0 : i32
      %dma_wait3A_344 = tpu.memref_slice %arg4[%mul3A_2, %dma_wait3A_343] : memref<32768x768xf32, #tpu.memory_space<hbm>> -> memref<8x768xf32, #tpu.memory_space<hbm>>
      tpu.wait_dma2 semaphore(%arg25 : memref<!tpu.dma_semaphore, #tpu.memory_space<semaphore_mem>>) src(%arg9 : memref<8x768xf32, #tpu.memory_space<vmem>>) dst(%dma_wait3A_344 : memref<8x768xf32, #tpu.memory_space<hbm>>)
      %add3A_345 = arith.constant 8 : i32
      %add3A_346 = arith.addi %mul3A_178, %add3A_345 : i32
      %add3A_347 = arith.constant 3 : i32
      %add3A_348 = arith.addi %add3A_346, %add3A_347 : i32
      %mul3A_349 = arith.constant 8 : i32
      %mul3A_350 = arith.muli %add3A_348, %mul3A_349 : i32
      %dma_start3A_351 = tpu.memref_slice %arg5[%mul3A_350] : memref<1024xi32, #tpu.memory_space<vmem>> -> memref<8xi32, #tpu.memory_space<vmem>>
      %dma_start3A_352 = arith.constant 0 : i32
      %dma_start3A_353 = arith.constant 0 : i32
      %dma_start3A_354 = tpu.memref_slice %arg3[%dma_start3A_352, %dma_start3A_353] : memref<28996x768xf32, #tpu.memory_space<hbm>> -> memref<28996x768xf32, #tpu.memory_space<hbm>>
      tpu.enqueue_indirect_dma source(%dma_start3A_354 : memref<28996x768xf32, #tpu.memory_space<hbm>>) target(%arg9 : memref<8x768xf32, #tpu.memory_space<vmem>>) offsets(%dma_start3A_351 : memref<8xi32, #tpu.memory_space<vmem>>) semaphore(%arg17 : memref<!tpu.dma_semaphore, #tpu.memory_space<semaphore_mem>>)
      %dma_wait3A_355 = arith.constant 0 : i32
      %dma_wait3A_356 = tpu.memref_slice %arg4[%mul3A_2, %dma_wait3A_355] : memref<32768x768xf32, #tpu.memory_space<hbm>> -> memref<8x768xf32, #tpu.memory_space<hbm>>
      %dma_wait3A_357 = arith.constant 0 : i32
      %dma_wait3A_358 = tpu.memref_slice %arg4[%mul3A_2, %dma_wait3A_357] : memref<32768x768xf32, #tpu.memory_space<hbm>> -> memref<8x768xf32, #tpu.memory_space<hbm>>
      tpu.wait_dma2 semaphore(%arg26 : memref<!tpu.dma_semaphore, #tpu.memory_space<semaphore_mem>>) src(%arg10 : memref<8x768xf32, #tpu.memory_space<vmem>>) dst(%dma_wait3A_358 : memref<8x768xf32, #tpu.memory_space<hbm>>)
      %add3A_359 = arith.constant 8 : i32
      %add3A_360 = arith.addi %mul3A_178, %add3A_359 : i32
      %add3A_361 = arith.constant 4 : i32
      %add3A_362 = arith.addi %add3A_360, %add3A_361 : i32
      %mul3A_363 = arith.constant 8 : i32
      %mul3A_364 = arith.muli %add3A_362, %mul3A_363 : i32
      %dma_start3A_365 = tpu.memref_slice %arg5[%mul3A_364] : memref<1024xi32, #tpu.memory_space<vmem>> -> memref<8xi32, #tpu.memory_space<vmem>>
      %dma_start3A_366 = arith.constant 0 : i32
      %dma_start3A_367 = arith.constant 0 : i32
      %dma_start3A_368 = tpu.memref_slice %arg3[%dma_start3A_366, %dma_start3A_367] : memref<28996x768xf32, #tpu.memory_space<hbm>> -> memref<28996x768xf32, #tpu.memory_space<hbm>>
      tpu.enqueue_indirect_dma source(%dma_start3A_368 : memref<28996x768xf32, #tpu.memory_space<hbm>>) target(%arg10 : memref<8x768xf32, #tpu.memory_space<vmem>>) offsets(%dma_start3A_365 : memref<8xi32, #tpu.memory_space<vmem>>) semaphore(%arg18 : memref<!tpu.dma_semaphore, #tpu.memory_space<semaphore_mem>>)
      %dma_wait3A_369 = arith.constant 0 : i32
      %dma_wait3A_370 = tpu.memref_slice %arg4[%mul3A_2, %dma_wait3A_369] : memref<32768x768xf32, #tpu.memory_space<hbm>> -> memref<8x768xf32, #tpu.memory_space<hbm>>
      %dma_wait3A_371 = arith.constant 0 : i32
      %dma_wait3A_372 = tpu.memref_slice %arg4[%mul3A_2, %dma_wait3A_371] : memref<32768x768xf32, #tpu.memory_space<hbm>> -> memref<8x768xf32, #tpu.memory_space<hbm>>
      tpu.wait_dma2 semaphore(%arg27 : memref<!tpu.dma_semaphore, #tpu.memory_space<semaphore_mem>>) src(%arg11 : memref<8x768xf32, #tpu.memory_space<vmem>>) dst(%dma_wait3A_372 : memref<8x768xf32, #tpu.memory_space<hbm>>)
      %add3A_373 = arith.constant 8 : i32
      %add3A_374 = arith.addi %mul3A_178, %add3A_373 : i32
      %add3A_375 = arith.constant 5 : i32
      %add3A_376 = arith.addi %add3A_374, %add3A_375 : i32
      %mul3A_377 = arith.constant 8 : i32
      %mul3A_378 = arith.muli %add3A_376, %mul3A_377 : i32
      %dma_start3A_379 = tpu.memref_slice %arg5[%mul3A_378] : memref<1024xi32, #tpu.memory_space<vmem>> -> memref<8xi32, #tpu.memory_space<vmem>>
      %dma_start3A_380 = arith.constant 0 : i32
      %dma_start3A_381 = arith.constant 0 : i32
      %dma_start3A_382 = tpu.memref_slice %arg3[%dma_start3A_380, %dma_start3A_381] : memref<28996x768xf32, #tpu.memory_space<hbm>> -> memref<28996x768xf32, #tpu.memory_space<hbm>>
      tpu.enqueue_indirect_dma source(%dma_start3A_382 : memref<28996x768xf32, #tpu.memory_space<hbm>>) target(%arg11 : memref<8x768xf32, #tpu.memory_space<vmem>>) offsets(%dma_start3A_379 : memref<8xi32, #tpu.memory_space<vmem>>) semaphore(%arg19 : memref<!tpu.dma_semaphore, #tpu.memory_space<semaphore_mem>>)
      %dma_wait3A_383 = arith.constant 0 : i32
      %dma_wait3A_384 = tpu.memref_slice %arg4[%mul3A_2, %dma_wait3A_383] : memref<32768x768xf32, #tpu.memory_space<hbm>> -> memref<8x768xf32, #tpu.memory_space<hbm>>
      %dma_wait3A_385 = arith.constant 0 : i32
      %dma_wait3A_386 = tpu.memref_slice %arg4[%mul3A_2, %dma_wait3A_385] : memref<32768x768xf32, #tpu.memory_space<hbm>> -> memref<8x768xf32, #tpu.memory_space<hbm>>
      tpu.wait_dma2 semaphore(%arg28 : memref<!tpu.dma_semaphore, #tpu.memory_space<semaphore_mem>>) src(%arg12 : memref<8x768xf32, #tpu.memory_space<vmem>>) dst(%dma_wait3A_386 : memref<8x768xf32, #tpu.memory_space<hbm>>)
      %add3A_387 = arith.constant 8 : i32
      %add3A_388 = arith.addi %mul3A_178, %add3A_387 : i32
      %add3A_389 = arith.constant 6 : i32
      %add3A_390 = arith.addi %add3A_388, %add3A_389 : i32
      %mul3A_391 = arith.constant 8 : i32
      %mul3A_392 = arith.muli %add3A_390, %mul3A_391 : i32
      %dma_start3A_393 = tpu.memref_slice %arg5[%mul3A_392] : memref<1024xi32, #tpu.memory_space<vmem>> -> memref<8xi32, #tpu.memory_space<vmem>>
      %dma_start3A_394 = arith.constant 0 : i32
      %dma_start3A_395 = arith.constant 0 : i32
      %dma_start3A_396 = tpu.memref_slice %arg3[%dma_start3A_394, %dma_start3A_395] : memref<28996x768xf32, #tpu.memory_space<hbm>> -> memref<28996x768xf32, #tpu.memory_space<hbm>>
      tpu.enqueue_indirect_dma source(%dma_start3A_396 : memref<28996x768xf32, #tpu.memory_space<hbm>>) target(%arg12 : memref<8x768xf32, #tpu.memory_space<vmem>>) offsets(%dma_start3A_393 : memref<8xi32, #tpu.memory_space<vmem>>) semaphore(%arg20 : memref<!tpu.dma_semaphore, #tpu.memory_space<semaphore_mem>>)
      %dma_wait3A_397 = arith.constant 0 : i32
      %dma_wait3A_398 = tpu.memref_slice %arg4[%mul3A_2, %dma_wait3A_397] : memref<32768x768xf32, #tpu.memory_space<hbm>> -> memref<8x768xf32, #tpu.memory_space<hbm>>
      %dma_wait3A_399 = arith.constant 0 : i32
      %dma_wait3A_400 = tpu.memref_slice %arg4[%mul3A_2, %dma_wait3A_399] : memref<32768x768xf32, #tpu.memory_space<hbm>> -> memref<8x768xf32, #tpu.memory_space<hbm>>
      tpu.wait_dma2 semaphore(%arg29 : memref<!tpu.dma_semaphore, #tpu.memory_space<semaphore_mem>>) src(%arg13 : memref<8x768xf32, #tpu.memory_space<vmem>>) dst(%dma_wait3A_400 : memref<8x768xf32, #tpu.memory_space<hbm>>)
      %add3A_401 = arith.constant 8 : i32
      %add3A_402 = arith.addi %mul3A_178, %add3A_401 : i32
      %add3A_403 = arith.constant 7 : i32
      %add3A_404 = arith.addi %add3A_402, %add3A_403 : i32
      %mul3A_405 = arith.constant 8 : i32
      %mul3A_406 = arith.muli %add3A_404, %mul3A_405 : i32
      %dma_start3A_407 = tpu.memref_slice %arg5[%mul3A_406] : memref<1024xi32, #tpu.memory_space<vmem>> -> memref<8xi32, #tpu.memory_space<vmem>>
      %dma_start3A_408 = arith.constant 0 : i32
      %dma_start3A_409 = arith.constant 0 : i32
      %dma_start3A_410 = tpu.memref_slice %arg3[%dma_start3A_408, %dma_start3A_409] : memref<28996x768xf32, #tpu.memory_space<hbm>> -> memref<28996x768xf32, #tpu.memory_space<hbm>>
      tpu.enqueue_indirect_dma source(%dma_start3A_410 : memref<28996x768xf32, #tpu.memory_space<hbm>>) target(%arg13 : memref<8x768xf32, #tpu.memory_space<vmem>>) offsets(%dma_start3A_407 : memref<8xi32, #tpu.memory_space<vmem>>) semaphore(%arg21 : memref<!tpu.dma_semaphore, #tpu.memory_space<semaphore_mem>>)
    }
    %scan3A_48 = arith.constant 15 : i32
    %dma_wait3A = arith.constant 0 : i32
    %dma_wait3A_49 = arith.constant 0 : i32
    %dma_wait3A_50 = tpu.memref_slice %arg3[%dma_wait3A, %dma_wait3A_49] : memref<28996x768xf32, #tpu.memory_space<hbm>> -> memref<8x768xf32, #tpu.memory_space<hbm>>
    %dma_wait3A_51 = arith.constant 0 : i32
    %dma_wait3A_52 = arith.constant 0 : i32
    %dma_wait3A_53 = tpu.memref_slice %arg3[%dma_wait3A_51, %dma_wait3A_52] : memref<28996x768xf32, #tpu.memory_space<hbm>> -> memref<8x768xf32, #tpu.memory_space<hbm>>
    tpu.wait_dma2 semaphore(%arg14 : memref<!tpu.dma_semaphore, #tpu.memory_space<semaphore_mem>>) src(%dma_wait3A_53 : memref<8x768xf32, #tpu.memory_space<hbm>>) dst(%arg6 : memref<8x768xf32, #tpu.memory_space<vmem>>)
    %add3A_54 = arith.constant 960 : i32
    %add3A_55 = arith.addi %mul3A_2, %add3A_54 : i32
    %dma_start3A_56 = arith.constant 0 : i32
    %dma_start3A_57 = tpu.memref_slice %arg4[%add3A_55, %dma_start3A_56] : memref<32768x768xf32, #tpu.memory_space<hbm>> -> memref<8x768xf32, #tpu.memory_space<hbm>>
    %dma_start3A_58 = arith.constant 0 : i32
    %dma_start3A_59 = tpu.memref_slice %arg4[%add3A_55, %dma_start3A_58] : memref<32768x768xf32, #tpu.memory_space<hbm>> -> memref<8x768xf32, #tpu.memory_space<hbm>>
    tpu.enqueue_dma source(%arg6 : memref<8x768xf32, #tpu.memory_space<vmem>>) target(%dma_start3A_59 : memref<8x768xf32, #tpu.memory_space<hbm>>) target_semaphore(%arg22 : memref<!tpu.dma_semaphore, #tpu.memory_space<semaphore_mem>>)
    %dma_wait3A_60 = arith.constant 0 : i32
    %dma_wait3A_61 = arith.constant 0 : i32
    %dma_wait3A_62 = tpu.memref_slice %arg3[%dma_wait3A_60, %dma_wait3A_61] : memref<28996x768xf32, #tpu.memory_space<hbm>> -> memref<8x768xf32, #tpu.memory_space<hbm>>
    %dma_wait3A_63 = arith.constant 0 : i32
    %dma_wait3A_64 = arith.constant 0 : i32
    %dma_wait3A_65 = tpu.memref_slice %arg3[%dma_wait3A_63, %dma_wait3A_64] : memref<28996x768xf32, #tpu.memory_space<hbm>> -> memref<8x768xf32, #tpu.memory_space<hbm>>
    tpu.wait_dma2 semaphore(%arg15 : memref<!tpu.dma_semaphore, #tpu.memory_space<semaphore_mem>>) src(%dma_wait3A_65 : memref<8x768xf32, #tpu.memory_space<hbm>>) dst(%arg7 : memref<8x768xf32, #tpu.memory_space<vmem>>)
    %add3A_66 = arith.constant 968 : i32
    %add3A_67 = arith.addi %mul3A_2, %add3A_66 : i32
    %dma_start3A_68 = arith.constant 0 : i32
    %dma_start3A_69 = tpu.memref_slice %arg4[%add3A_67, %dma_start3A_68] : memref<32768x768xf32, #tpu.memory_space<hbm>> -> memref<8x768xf32, #tpu.memory_space<hbm>>
    %dma_start3A_70 = arith.constant 0 : i32
    %dma_start3A_71 = tpu.memref_slice %arg4[%add3A_67, %dma_start3A_70] : memref<32768x768xf32, #tpu.memory_space<hbm>> -> memref<8x768xf32, #tpu.memory_space<hbm>>
    tpu.enqueue_dma source(%arg7 : memref<8x768xf32, #tpu.memory_space<vmem>>) target(%dma_start3A_71 : memref<8x768xf32, #tpu.memory_space<hbm>>) target_semaphore(%arg23 : memref<!tpu.dma_semaphore, #tpu.memory_space<semaphore_mem>>)
    %dma_wait3A_72 = arith.constant 0 : i32
    %dma_wait3A_73 = arith.constant 0 : i32
    %dma_wait3A_74 = tpu.memref_slice %arg3[%dma_wait3A_72, %dma_wait3A_73] : memref<28996x768xf32, #tpu.memory_space<hbm>> -> memref<8x768xf32, #tpu.memory_space<hbm>>
    %dma_wait3A_75 = arith.constant 0 : i32
    %dma_wait3A_76 = arith.constant 0 : i32
    %dma_wait3A_77 = tpu.memref_slice %arg3[%dma_wait3A_75, %dma_wait3A_76] : memref<28996x768xf32, #tpu.memory_space<hbm>> -> memref<8x768xf32, #tpu.memory_space<hbm>>
    tpu.wait_dma2 semaphore(%arg16 : memref<!tpu.dma_semaphore, #tpu.memory_space<semaphore_mem>>) src(%dma_wait3A_77 : memref<8x768xf32, #tpu.memory_space<hbm>>) dst(%arg8 : memref<8x768xf32, #tpu.memory_space<vmem>>)
    %add3A_78 = arith.constant 976 : i32
    %add3A_79 = arith.addi %mul3A_2, %add3A_78 : i32
    %dma_start3A_80 = arith.constant 0 : i32
    %dma_start3A_81 = tpu.memref_slice %arg4[%add3A_79, %dma_start3A_80] : memref<32768x768xf32, #tpu.memory_space<hbm>> -> memref<8x768xf32, #tpu.memory_space<hbm>>
    %dma_start3A_82 = arith.constant 0 : i32
    %dma_start3A_83 = tpu.memref_slice %arg4[%add3A_79, %dma_start3A_82] : memref<32768x768xf32, #tpu.memory_space<hbm>> -> memref<8x768xf32, #tpu.memory_space<hbm>>
    tpu.enqueue_dma source(%arg8 : memref<8x768xf32, #tpu.memory_space<vmem>>) target(%dma_start3A_83 : memref<8x768xf32, #tpu.memory_space<hbm>>) target_semaphore(%arg24 : memref<!tpu.dma_semaphore, #tpu.memory_space<semaphore_mem>>)
    %dma_wait3A_84 = arith.constant 0 : i32
    %dma_wait3A_85 = arith.constant 0 : i32
    %dma_wait3A_86 = tpu.memref_slice %arg3[%dma_wait3A_84, %dma_wait3A_85] : memref<28996x768xf32, #tpu.memory_space<hbm>> -> memref<8x768xf32, #tpu.memory_space<hbm>>
    %dma_wait3A_87 = arith.constant 0 : i32
    %dma_wait3A_88 = arith.constant 0 : i32
    %dma_wait3A_89 = tpu.memref_slice %arg3[%dma_wait3A_87, %dma_wait3A_88] : memref<28996x768xf32, #tpu.memory_space<hbm>> -> memref<8x768xf32, #tpu.memory_space<hbm>>
    tpu.wait_dma2 semaphore(%arg17 : memref<!tpu.dma_semaphore, #tpu.memory_space<semaphore_mem>>) src(%dma_wait3A_89 : memref<8x768xf32, #tpu.memory_space<hbm>>) dst(%arg9 : memref<8x768xf32, #tpu.memory_space<vmem>>)
    %add3A_90 = arith.constant 984 : i32
    %add3A_91 = arith.addi %mul3A_2, %add3A_90 : i32
    %dma_start3A_92 = arith.constant 0 : i32
    %dma_start3A_93 = tpu.memref_slice %arg4[%add3A_91, %dma_start3A_92] : memref<32768x768xf32, #tpu.memory_space<hbm>> -> memref<8x768xf32, #tpu.memory_space<hbm>>
    %dma_start3A_94 = arith.constant 0 : i32
    %dma_start3A_95 = tpu.memref_slice %arg4[%add3A_91, %dma_start3A_94] : memref<32768x768xf32, #tpu.memory_space<hbm>> -> memref<8x768xf32, #tpu.memory_space<hbm>>
    tpu.enqueue_dma source(%arg9 : memref<8x768xf32, #tpu.memory_space<vmem>>) target(%dma_start3A_95 : memref<8x768xf32, #tpu.memory_space<hbm>>) target_semaphore(%arg25 : memref<!tpu.dma_semaphore, #tpu.memory_space<semaphore_mem>>)
    %dma_wait3A_96 = arith.constant 0 : i32
    %dma_wait3A_97 = arith.constant 0 : i32
    %dma_wait3A_98 = tpu.memref_slice %arg3[%dma_wait3A_96, %dma_wait3A_97] : memref<28996x768xf32, #tpu.memory_space<hbm>> -> memref<8x768xf32, #tpu.memory_space<hbm>>
    %dma_wait3A_99 = arith.constant 0 : i32
    %dma_wait3A_100 = arith.constant 0 : i32
    %dma_wait3A_101 = tpu.memref_slice %arg3[%dma_wait3A_99, %dma_wait3A_100] : memref<28996x768xf32, #tpu.memory_space<hbm>> -> memref<8x768xf32, #tpu.memory_space<hbm>>
    tpu.wait_dma2 semaphore(%arg18 : memref<!tpu.dma_semaphore, #tpu.memory_space<semaphore_mem>>) src(%dma_wait3A_101 : memref<8x768xf32, #tpu.memory_space<hbm>>) dst(%arg10 : memref<8x768xf32, #tpu.memory_space<vmem>>)
    %add3A_102 = arith.constant 992 : i32
    %add3A_103 = arith.addi %mul3A_2, %add3A_102 : i32
    %dma_start3A_104 = arith.constant 0 : i32
    %dma_start3A_105 = tpu.memref_slice %arg4[%add3A_103, %dma_start3A_104] : memref<32768x768xf32, #tpu.memory_space<hbm>> -> memref<8x768xf32, #tpu.memory_space<hbm>>
    %dma_start3A_106 = arith.constant 0 : i32
    %dma_start3A_107 = tpu.memref_slice %arg4[%add3A_103, %dma_start3A_106] : memref<32768x768xf32, #tpu.memory_space<hbm>> -> memref<8x768xf32, #tpu.memory_space<hbm>>
    tpu.enqueue_dma source(%arg10 : memref<8x768xf32, #tpu.memory_space<vmem>>) target(%dma_start3A_107 : memref<8x768xf32, #tpu.memory_space<hbm>>) target_semaphore(%arg26 : memref<!tpu.dma_semaphore, #tpu.memory_space<semaphore_mem>>)
    %dma_wait3A_108 = arith.constant 0 : i32
    %dma_wait3A_109 = arith.constant 0 : i32
    %dma_wait3A_110 = tpu.memref_slice %arg3[%dma_wait3A_108, %dma_wait3A_109] : memref<28996x768xf32, #tpu.memory_space<hbm>> -> memref<8x768xf32, #tpu.memory_space<hbm>>
    %dma_wait3A_111 = arith.constant 0 : i32
    %dma_wait3A_112 = arith.constant 0 : i32
    %dma_wait3A_113 = tpu.memref_slice %arg3[%dma_wait3A_111, %dma_wait3A_112] : memref<28996x768xf32, #tpu.memory_space<hbm>> -> memref<8x768xf32, #tpu.memory_space<hbm>>
    tpu.wait_dma2 semaphore(%arg19 : memref<!tpu.dma_semaphore, #tpu.memory_space<semaphore_mem>>) src(%dma_wait3A_113 : memref<8x768xf32, #tpu.memory_space<hbm>>) dst(%arg11 : memref<8x768xf32, #tpu.memory_space<vmem>>)
    %add3A_114 = arith.constant 1000 : i32
    %add3A_115 = arith.addi %mul3A_2, %add3A_114 : i32
    %dma_start3A_116 = arith.constant 0 : i32
    %dma_start3A_117 = tpu.memref_slice %arg4[%add3A_115, %dma_start3A_116] : memref<32768x768xf32, #tpu.memory_space<hbm>> -> memref<8x768xf32, #tpu.memory_space<hbm>>
    %dma_start3A_118 = arith.constant 0 : i32
    %dma_start3A_119 = tpu.memref_slice %arg4[%add3A_115, %dma_start3A_118] : memref<32768x768xf32, #tpu.memory_space<hbm>> -> memref<8x768xf32, #tpu.memory_space<hbm>>
    tpu.enqueue_dma source(%arg11 : memref<8x768xf32, #tpu.memory_space<vmem>>) target(%dma_start3A_119 : memref<8x768xf32, #tpu.memory_space<hbm>>) target_semaphore(%arg27 : memref<!tpu.dma_semaphore, #tpu.memory_space<semaphore_mem>>)
    %dma_wait3A_120 = arith.constant 0 : i32
    %dma_wait3A_121 = arith.constant 0 : i32
    %dma_wait3A_122 = tpu.memref_slice %arg3[%dma_wait3A_120, %dma_wait3A_121] : memref<28996x768xf32, #tpu.memory_space<hbm>> -> memref<8x768xf32, #tpu.memory_space<hbm>>
    %dma_wait3A_123 = arith.constant 0 : i32
    %dma_wait3A_124 = arith.constant 0 : i32
    %dma_wait3A_125 = tpu.memref_slice %arg3[%dma_wait3A_123, %dma_wait3A_124] : memref<28996x768xf32, #tpu.memory_space<hbm>> -> memref<8x768xf32, #tpu.memory_space<hbm>>
    tpu.wait_dma2 semaphore(%arg20 : memref<!tpu.dma_semaphore, #tpu.memory_space<semaphore_mem>>) src(%dma_wait3A_125 : memref<8x768xf32, #tpu.memory_space<hbm>>) dst(%arg12 : memref<8x768xf32, #tpu.memory_space<vmem>>)
    %add3A_126 = arith.constant 1008 : i32
    %add3A_127 = arith.addi %mul3A_2, %add3A_126 : i32
    %dma_start3A_128 = arith.constant 0 : i32
    %dma_start3A_129 = tpu.memref_slice %arg4[%add3A_127, %dma_start3A_128] : memref<32768x768xf32, #tpu.memory_space<hbm>> -> memref<8x768xf32, #tpu.memory_space<hbm>>
    %dma_start3A_130 = arith.constant 0 : i32
    %dma_start3A_131 = tpu.memref_slice %arg4[%add3A_127, %dma_start3A_130] : memref<32768x768xf32, #tpu.memory_space<hbm>> -> memref<8x768xf32, #tpu.memory_space<hbm>>
    tpu.enqueue_dma source(%arg12 : memref<8x768xf32, #tpu.memory_space<vmem>>) target(%dma_start3A_131 : memref<8x768xf32, #tpu.memory_space<hbm>>) target_semaphore(%arg28 : memref<!tpu.dma_semaphore, #tpu.memory_space<semaphore_mem>>)
    %dma_wait3A_132 = arith.constant 0 : i32
    %dma_wait3A_133 = arith.constant 0 : i32
    %dma_wait3A_134 = tpu.memref_slice %arg3[%dma_wait3A_132, %dma_wait3A_133] : memref<28996x768xf32, #tpu.memory_space<hbm>> -> memref<8x768xf32, #tpu.memory_space<hbm>>
    %dma_wait3A_135 = arith.constant 0 : i32
    %dma_wait3A_136 = arith.constant 0 : i32
    %dma_wait3A_137 = tpu.memref_slice %arg3[%dma_wait3A_135, %dma_wait3A_136] : memref<28996x768xf32, #tpu.memory_space<hbm>> -> memref<8x768xf32, #tpu.memory_space<hbm>>
    tpu.wait_dma2 semaphore(%arg21 : memref<!tpu.dma_semaphore, #tpu.memory_space<semaphore_mem>>) src(%dma_wait3A_137 : memref<8x768xf32, #tpu.memory_space<hbm>>) dst(%arg13 : memref<8x768xf32, #tpu.memory_space<vmem>>)
    %add3A_138 = arith.constant 1016 : i32
    %add3A_139 = arith.addi %mul3A_2, %add3A_138 : i32
    %dma_start3A_140 = arith.constant 0 : i32
    %dma_start3A_141 = tpu.memref_slice %arg4[%add3A_139, %dma_start3A_140] : memref<32768x768xf32, #tpu.memory_space<hbm>> -> memref<8x768xf32, #tpu.memory_space<hbm>>
    %dma_start3A_142 = arith.constant 0 : i32
    %dma_start3A_143 = tpu.memref_slice %arg4[%add3A_139, %dma_start3A_142] : memref<32768x768xf32, #tpu.memory_space<hbm>> -> memref<8x768xf32, #tpu.memory_space<hbm>>
    tpu.enqueue_dma source(%arg13 : memref<8x768xf32, #tpu.memory_space<vmem>>) target(%dma_start3A_143 : memref<8x768xf32, #tpu.memory_space<hbm>>) target_semaphore(%arg29 : memref<!tpu.dma_semaphore, #tpu.memory_space<semaphore_mem>>)
    %dma_wait3A_144 = arith.constant 0 : i32
    %dma_wait3A_145 = tpu.memref_slice %arg4[%mul3A_2, %dma_wait3A_144] : memref<32768x768xf32, #tpu.memory_space<hbm>> -> memref<8x768xf32, #tpu.memory_space<hbm>>
    %dma_wait3A_146 = arith.constant 0 : i32
    %dma_wait3A_147 = tpu.memref_slice %arg4[%mul3A_2, %dma_wait3A_146] : memref<32768x768xf32, #tpu.memory_space<hbm>> -> memref<8x768xf32, #tpu.memory_space<hbm>>
    tpu.wait_dma2 semaphore(%arg22 : memref<!tpu.dma_semaphore, #tpu.memory_space<semaphore_mem>>) src(%arg6 : memref<8x768xf32, #tpu.memory_space<vmem>>) dst(%dma_wait3A_147 : memref<8x768xf32, #tpu.memory_space<hbm>>)
    %dma_wait3A_148 = arith.constant 0 : i32
    %dma_wait3A_149 = tpu.memref_slice %arg4[%mul3A_2, %dma_wait3A_148] : memref<32768x768xf32, #tpu.memory_space<hbm>> -> memref<8x768xf32, #tpu.memory_space<hbm>>
    %dma_wait3A_150 = arith.constant 0 : i32
    %dma_wait3A_151 = tpu.memref_slice %arg4[%mul3A_2, %dma_wait3A_150] : memref<32768x768xf32, #tpu.memory_space<hbm>> -> memref<8x768xf32, #tpu.memory_space<hbm>>
    tpu.wait_dma2 semaphore(%arg23 : memref<!tpu.dma_semaphore, #tpu.memory_space<semaphore_mem>>) src(%arg7 : memref<8x768xf32, #tpu.memory_space<vmem>>) dst(%dma_wait3A_151 : memref<8x768xf32, #tpu.memory_space<hbm>>)
    %dma_wait3A_152 = arith.constant 0 : i32
    %dma_wait3A_153 = tpu.memref_slice %arg4[%mul3A_2, %dma_wait3A_152] : memref<32768x768xf32, #tpu.memory_space<hbm>> -> memref<8x768xf32, #tpu.memory_space<hbm>>
    %dma_wait3A_154 = arith.constant 0 : i32
    %dma_wait3A_155 = tpu.memref_slice %arg4[%mul3A_2, %dma_wait3A_154] : memref<32768x768xf32, #tpu.memory_space<hbm>> -> memref<8x768xf32, #tpu.memory_space<hbm>>
    tpu.wait_dma2 semaphore(%arg24 : memref<!tpu.dma_semaphore, #tpu.memory_space<semaphore_mem>>) src(%arg8 : memref<8x768xf32, #tpu.memory_space<vmem>>) dst(%dma_wait3A_155 : memref<8x768xf32, #tpu.memory_space<hbm>>)
    %dma_wait3A_156 = arith.constant 0 : i32
    %dma_wait3A_157 = tpu.memref_slice %arg4[%mul3A_2, %dma_wait3A_156] : memref<32768x768xf32, #tpu.memory_space<hbm>> -> memref<8x768xf32, #tpu.memory_space<hbm>>
    %dma_wait3A_158 = arith.constant 0 : i32
    %dma_wait3A_159 = tpu.memref_slice %arg4[%mul3A_2, %dma_wait3A_158] : memref<32768x768xf32, #tpu.memory_space<hbm>> -> memref<8x768xf32, #tpu.memory_space<hbm>>
    tpu.wait_dma2 semaphore(%arg25 : memref<!tpu.dma_semaphore, #tpu.memory_space<semaphore_mem>>) src(%arg9 : memref<8x768xf32, #tpu.memory_space<vmem>>) dst(%dma_wait3A_159 : memref<8x768xf32, #tpu.memory_space<hbm>>)
    %dma_wait3A_160 = arith.constant 0 : i32
    %dma_wait3A_161 = tpu.memref_slice %arg4[%mul3A_2, %dma_wait3A_160] : memref<32768x768xf32, #tpu.memory_space<hbm>> -> memref<8x768xf32, #tpu.memory_space<hbm>>
    %dma_wait3A_162 = arith.constant 0 : i32
    %dma_wait3A_163 = tpu.memref_slice %arg4[%mul3A_2, %dma_wait3A_162] : memref<32768x768xf32, #tpu.memory_space<hbm>> -> memref<8x768xf32, #tpu.memory_space<hbm>>
    tpu.wait_dma2 semaphore(%arg26 : memref<!tpu.dma_semaphore, #tpu.memory_space<semaphore_mem>>) src(%arg10 : memref<8x768xf32, #tpu.memory_space<vmem>>) dst(%dma_wait3A_163 : memref<8x768xf32, #tpu.memory_space<hbm>>)
    %dma_wait3A_164 = arith.constant 0 : i32
    %dma_wait3A_165 = tpu.memref_slice %arg4[%mul3A_2, %dma_wait3A_164] : memref<32768x768xf32, #tpu.memory_space<hbm>> -> memref<8x768xf32, #tpu.memory_space<hbm>>
    %dma_wait3A_166 = arith.constant 0 : i32
    %dma_wait3A_167 = tpu.memref_slice %arg4[%mul3A_2, %dma_wait3A_166] : memref<32768x768xf32, #tpu.memory_space<hbm>> -> memref<8x768xf32, #tpu.memory_space<hbm>>
    tpu.wait_dma2 semaphore(%arg27 : memref<!tpu.dma_semaphore, #tpu.memory_space<semaphore_mem>>) src(%arg11 : memref<8x768xf32, #tpu.memory_space<vmem>>) dst(%dma_wait3A_167 : memref<8x768xf32, #tpu.memory_space<hbm>>)
    %dma_wait3A_168 = arith.constant 0 : i32
    %dma_wait3A_169 = tpu.memref_slice %arg4[%mul3A_2, %dma_wait3A_168] : memref<32768x768xf32, #tpu.memory_space<hbm>> -> memref<8x768xf32, #tpu.memory_space<hbm>>
    %dma_wait3A_170 = arith.constant 0 : i32
    %dma_wait3A_171 = tpu.memref_slice %arg4[%mul3A_2, %dma_wait3A_170] : memref<32768x768xf32, #tpu.memory_space<hbm>> -> memref<8x768xf32, #tpu.memory_space<hbm>>
    tpu.wait_dma2 semaphore(%arg28 : memref<!tpu.dma_semaphore, #tpu.memory_space<semaphore_mem>>) src(%arg12 : memref<8x768xf32, #tpu.memory_space<vmem>>) dst(%dma_wait3A_171 : memref<8x768xf32, #tpu.memory_space<hbm>>)
    %dma_wait3A_172 = arith.constant 0 : i32
    %dma_wait3A_173 = tpu.memref_slice %arg4[%mul3A_2, %dma_wait3A_172] : memref<32768x768xf32, #tpu.memory_space<hbm>> -> memref<8x768xf32, #tpu.memory_space<hbm>>
    %dma_wait3A_174 = arith.constant 0 : i32
    %dma_wait3A_175 = tpu.memref_slice %arg4[%mul3A_2, %dma_wait3A_174] : memref<32768x768xf32, #tpu.memory_space<hbm>> -> memref<8x768xf32, #tpu.memory_space<hbm>>
    tpu.wait_dma2 semaphore(%arg29 : memref<!tpu.dma_semaphore, #tpu.memory_space<semaphore_mem>>) src(%arg13 : memref<8x768xf32, #tpu.memory_space<vmem>>) dst(%dma_wait3A_175 : memref<8x768xf32, #tpu.memory_space<hbm>>)
    return
  }
}

</mosaic_0001>

<sc_bundles>
// kernel: kernel.3.cloned.1.call-start
scs
__scs_entry_jumppad:
0x0: {  	(pc) =	sbr.rel $0x88, $3  }
0x1: {  	(tag) =	ssettag $0x0;
	lr =	simm.s32 $0x1  }
0x2: {  	[smem:$0x3F9F] =	sst lr;
	_ =	strace $0xD0000000  }
0x3: {  	_ = 	snop  }
0x4: {  	_ = 	snop  }
0x5: {  	_ = 	snop  }
0x6: {  	_ = 	snop  }
0x7: {  	_ = 	snop  }
__scs_overlays_trampoline_lowered:
0x8: {  	[smem:$0x3FAE] =	sst s0  }
0x9: {  	[smem:$0x3FAF] =	sst s1  }
0xa: {  	[smem:$0x3FB0] =	sst s2  }
0xb: {  	[smem:$0x3FB1] =	sst s3  }
0xc: {  	[smem:$0x3FB2] =	sst s4  }
0xd: {  	[smem:$0x3FB3] =	sst s5  }
0xe: {  	[smem:$0x3FB4] =	sst s6  }
0xf: {  	[smem:$0x3FB5] =	sst s7  }
0x10: {  	[smem:$0x3FB6] =	sst s8  }
0x11: {  	[smem:$0x3FB7] =	sst s9;
	s0 =	simm.s32 @!p0 $0x0  }
0x12: {  	s1 =	sld [smem:$0x3F9D];
	s0 =	simm.s32 @p0 $0x1  }
0x13: {  	[smem:$0x3FB8] =	sst s0;
	s0 =	simm.s32 @!p1 $0x0  }
0x14: {  	s2 =	sld [smem:$0x3F9C];
	s0 =	simm.s32 @p1 $0x1  }
0x15: {  	[smem:$0x3FB9] =	sst s0;
	s0 =	simm.s32 @!p2 $0x0  }
0x16: {  	s3 =	sld [smem:$0x3FDB];
	s0 =	simm.s32 @p2 $0x1  }
0x17: {  	s4 =	simm.s32 $0x1BF5;
	[smem:$0x3FBB] =	sst s0  }
0x18: {  	s0 =	sld [smem:$0x3F9E];
	_ =	swait.ge [sflag:s4], $0x0  }
0x19: {  	s7 =	sld [smem:$0x3F9F]  }
0x1a: {  	s8 =	sadd.s32 $0xFFFFE003, lr  }
0x1b: {  	s9 =	sadd.s32 $0xFFFFFEF7, lr;
	s5 =	simm.s32 $0xFFFFFFFF;
	p2 =	slt.u32 s8, $0xFFFFF086  }
0x1c: {  	p1 =	slt.u32 s9, $0xF7A;
	s5 =	simm.s32 @!p2 $0x0  }
0x1d: {  	s5 =	simm.s32 @p1 $0x1;
	p0 =	seq.s32 s7, s2  }
0x1e: {  	s7 =	smul.u32 @!p0 $0xF7A, s2;
	p2 =	seq.s32 @!p0 s5, $0x0  }
0x1f: {  	s9 =	smul.u32 $0xF7A, s1;
	s8 =	simm.s32 @!p0 $0x1BF5;
	p2 =	por !p2, p0  }
0x20: {  	[sflag:s8] =	ssyncset.s32 @!p0 $0xFFFFF086;
	s6 =	sadd.s32 @!p0 s3, s7;
	s7 =	simm.s32 @!p0 $0x108  }
0x21: {  	s3 =	sadd.s32 s3, s9;
	s6 =	sadd.s32 @!p0 $0x88, s6;
	s7 =	simm.s32 @p2 $0x1082  }
0x22: {  	[simem:s7], [sflag:s8] =	dma.local @!p0 [hbm:s6], $0xF7A  }
0x23: {  	s9 =	sor.u32 $0xD0000000, s2;
	s6 =	simm.s32 $0x108;
	_ =	swait.ge @!p0 [sflag:s8], $0x0  }
0x24: {  	s3 =	sadd.s32 $0x88, s3;
	s6 =	simm.s32 @!p1 $0x1082;
	[sflag:s4] =	ssyncset.s32 $0xFFFFF086  }
0x25: {  	[simem:s6], [sflag:s4] =	dma.local [hbm:s3], $0xF7A  }
0x26: {  	[smem:$0x3F9F] =	sst s1;
	(tag) =	ssettag s2;
	_ =	strace s9  }
0x27: {  	s1 =	sld [smem:$0x3FAF]  }
0x28: {  	s2 =	sld [smem:$0x3FB0]  }
0x29: {  	s4 =	sld [smem:$0x3FB2]  }
0x2a: {  	p0 =	seq.s32 s5, $0x0;
	s5 =	sld [smem:$0x3FB3]  }
0x2b: {  	s6 =	sld [smem:$0x3FB4]  }
0x2c: {  	s7 =	sld [smem:$0x3FB5]  }
0x2d: {  	s3 =	simm.s32 $0x108;
	s8 =	sld [smem:$0x3FB6]  }
0x2e: {  	s3 =	simm.s32 @!p0 $0x1082;
	s9 =	sld [smem:$0x3FB7]  }
0x2f: {  	lr =	sadd.s32 s0, s3;
	s0 =	sld [smem:$0x3FAE]  }
0x30: {  	s3 =	sld [smem:$0x3FB1]  }
0x31: {  	[smem:$0x3FBA] =	sst s10  }
0x32: {  	s10 =	sld [smem:$0x3FB8];
	_ =	sdelay $0x3  }
0x33: {  	p0 =	seq.s32 s10, $0x1;
	s10 =	sld [smem:$0x3FBA];
	_ =	sdelay $0x3  }
0x34: {  	[smem:$0x3FBA] =	sst s10  }
0x35: {  	s10 =	sld [smem:$0x3FB9];
	_ =	sdelay $0x3  }
0x36: {  	p1 =	seq.s32 s10, $0x1;
	s10 =	sld [smem:$0x3FBA];
	_ =	sdelay $0x3  }
0x37: {  	[smem:$0x3FBA] =	sst s10  }
0x38: {  	s10 =	sld [smem:$0x3FBB]  }
0x39: {  	_ = 	snop;
	(pc) =	sbr.ind lr, $3  }
0x3a: {  	_ = 	snop  }
0x3b: {  	_ = 	snop  }
0x3c: {  	p2 =	seq.s32 s10, $0x1;
	s10 =	sld [smem:$0x3FBA]  }
0x3d: {  	_ =	shalt  }
0x3e: {  	_ =	shalt  }
0x3f: {  	_ =	shalt  }
0x40: {  	_ =	shalt  }
0x41: {  	_ =	shalt  }
0x42: {  	_ =	shalt  }
0x43: {  	_ =	shalt  }
0x44: {  	_ =	shalt  }
0x45: {  	_ =	shalt  }
0x46: {  	_ =	shalt  }
0x47: {  	_ =	shalt  }
0x48: {  	_ =	shalt  }
0x49: {  	_ =	shalt  }
0x4a: {  	_ =	shalt  }
0x4b: {  	_ =	shalt  }
0x4c: {  	_ =	shalt  }
0x4d: {  	_ =	shalt  }
0x4e: {  	_ =	shalt  }
0x4f: {  	_ =	shalt  }
0x50: {  	_ =	shalt  }
0x51: {  	_ =	shalt  }
0x52: {  	_ =	shalt  }
0x53: {  	_ =	shalt  }
0x54: {  	_ =	shalt  }
0x55: {  	_ =	shalt  }
0x56: {  	_ =	shalt  }
0x57: {  	_ =	shalt  }
0x58: {  	_ =	shalt  }
0x59: {  	_ =	shalt  }
0x5a: {  	_ =	shalt  }
0x5b: {  	_ =	shalt  }
0x5c: {  	_ =	shalt  }
0x5d: {  	_ =	shalt  }
0x5e: {  	_ =	shalt  }
0x5f: {  	_ =	shalt  }
0x60: {  	_ =	shalt  }
0x61: {  	_ =	shalt  }
0x62: {  	_ =	shalt  }
0x63: {  	_ =	shalt  }
0x64: {  	_ =	shalt  }
0x65: {  	_ =	shalt  }
0x66: {  	_ =	shalt  }
0x67: {  	_ =	shalt  }
0x68: {  	_ =	shalt  }
0x69: {  	_ =	shalt  }
0x6a: {  	_ =	shalt  }
0x6b: {  	_ =	shalt  }
0x6c: {  	_ =	shalt  }
0x6d: {  	_ =	shalt  }
0x6e: {  	_ =	shalt  }
0x6f: {  	_ =	shalt  }
0x70: {  	_ =	shalt  }
0x71: {  	_ =	shalt  }
0x72: {  	_ =	shalt  }
0x73: {  	_ =	shalt  }
0x74: {  	_ =	shalt  }
0x75: {  	_ =	shalt  }
0x76: {  	_ =	shalt  }
0x77: {  	_ =	shalt  }
0x78: {  	_ =	shalt  }
0x79: {  	_ =	shalt  }
0x7a: {  	_ =	shalt  }
0x7b: {  	_ =	shalt  }
0x7c: {  	_ =	shalt  }
0x7d: {  	_ =	shalt  }
0x7e: {  	_ =	shalt  }
0x7f: {  	_ =	shalt  }
0x80: {  	_ =	shalt  }
0x81: {  	_ =	shalt  }
0x82: {  	_ =	shalt  }
0x83: {  	_ =	shalt  }
0x84: {  	_ =	shalt  }
0x85: {  	_ =	shalt  }
0x86: {  	_ =	shalt  }
0x87: {  	_ =	shalt  }
.Lfunc_end0:
.L_simem_size_0:
called_computation_lowered:
.L_overlay_start_0:
0x88: {  	s2 =	sld [smem:$0x3FD9]  }
0x89: {  	s3 =	sld [smem:$0x3FFE];
	_ =	sdelay $0x1  }
0x8a: {  	s1 =	srdreg.scid  }
0x8b: {  	s0 =	sand.u32 $0x1, s1  }
0x8c: {  	s17 =	sshll.u32 s0, $0xA;
	s2 =	sadd.s32 s3, s2  }
0x8d: {  	s2 =	sadd.s32 s2, s17  }
0x8e: {  	[smem:$0x3FC6] =	sst s2  }
0x8f: {  	_ = 	snop  }
0x90: {  	s2 =	sld [smem:$0x3FC8]  }
0x91: {  	s18 =	sld [smem:$0x3FD0];
	(tm) =	ssettm $0x1  }
0x92: {  	s4 =	sld [smem:$0x3FFB];
	_ =	sdelay $0x3  }
0x93: {  	_ =	strace s4  }
0x94: {  	s4 =	sld [smem:$0x3FFC];
	_ =	sdelay $0x3  }
0x95: {  	_ =	strace s4  }
0x96: {  	s4 =	sld [smem:$0x3FFD];
	_ =	sdelay $0x3  }
0x97: {  	_ =	strace s4  }
0x98: {  	_ =	strace $0x8FFFFFFF  }
0x99: {  	s19 =	sld [smem:$0x3FDB];
	_ =	sdelay $0x1  }
0x9a: {  	s5 =	simm.s32 $_scs_section_size  }
0x9b: {  	s6 =	simm.s32 $_size__tile_overlayer_lowered;
	s7 =	simm.s32 $_tile_overlayer_lowered  }
0x9c: {  	s22 =	simm.s32 $0x1BFF;
	s21 =	sshll.u32 s7, $0x1;
	s4 =	sadd.s32 s5, s19  }
0x9d: {  	s8 =	simm.s32 $0x0;
	s20 =	sshll.u32 s6, $0x1;
	s6 =	sadd.s32 s21, s4  }
0x9e: {  	[timem:s8], [sflag:s22] =	dma.local [hbm:s6], s20  }
0x9f: {  	_ =	swait.ge [sflag:s22], s20  }
0xa0: {  	s5 =	ssub.s32 $0x0, s20;
	[sflag:s22] =	ssyncset.done $0x0  }
0xa1: {  	[sflag:s22] =	ssyncadd.s32 s5;
	_ =	sdelay $0x1  }
0xa2: {  	s23 =	simm.s32 $0x1B8B  }
0xa3: {  	_ =	swait.ge [sflag:s23], $0x1  }
0xa4: {  	[sflag:s23] =	ssyncset.done $0x0  }
0xa5: {  	s25 =	simm.s32 $0x1B8E;
	s24 =	sld [smem:$0x3FFE];
	[sflag:s23] =	ssyncadd.s32 $0xFFFFFFFF  }
0xa6: {  	s26 =	simm.s32 $execute0_lowered;
	[smem:$0x3FD2] =	sst s25  }
0xa7: {  	s6 =	sshll.u32 s26, $0x1;
	_ =	strace $0x80000046;
	[dreg:$0x1] =	wrdreg $0xFFFFFFFF  }
0xa8: {  	s28 =	simm.s32 $_size_execute0_lowered;
	s4 =	sadd.s32 s4, s6;
	[dreg:$0x0] =	wrdreg $0x0  }
0xa9: {  	s6 =	sshll.u32 s28, $0x1;
	[dreg:$0x2] =	wrdreg s4  }
0xaa: {  	[dreg:$0x3] =	wrdreg s6  }
0xab: {  	[dreg:$0x4] =	wrdreg $0xC0  }
0xac: {  	_ =	task [dreg:s8], $0x5FFFF  }
0xad: {  	[dreg:$0x1] =	wrdreg $0xFFFFFFFF  }
0xae: {  	[dreg:$0x0] =	wrdreg $0x60  }
0xaf: {  	[dreg:$0x2] =	wrdreg s24  }
0xb0: {  	[dreg:$0x3] =	wrdreg s2  }
0xb1: {  	[dreg:$0x4] =	wrdreg s18  }
0xb2: {  	[dreg:$0x5] =	wrdreg $0x9  }
0xb3: {  	_ =	task.clear_ibuf [dreg:s8], $0x6FFFF;
	_ =	strace $0x90000046  }
0xb4: {  	s29 =	simm.s32 $0x9;
	_ =	strace $0x80000048  }
0xb5: {  	_ =	swait.ge [sflag:s29], $0x1  }
0xb6: {  	[sflag:s29] =	ssyncadd.s32 $0xFFFFFFFF  }
0xb7: {  	_ =	strace $0x90000048  }
0xb8: {  	_ =	sfence  }
0xb9: {  	s30 =	sld [smem:$0x0];
	_ =	sdelay $0x2  }
0xba: {  	s31 =	sshll.u32 s1, $0xD;
	s1 =	sshrl.u32 s1, $0x2  }
0xbb: {  	s3 =	sand.u32 $0x4000, s31;
	s1 =	sadd.s32 s1, s30  }
0xbc: {  	s0 =	sor.u32 s3, s0;
	s1 =	sshll.u32 s1, $0x11  }
0xbd: {  	s0 =	sor.u32 s1, s0  }
0xbe: {  	s0 =	sadd.s32 $0x8F2B, s0  }
0xbf: {  	[sflag:s0] =	ssyncadd.remote.s32 $0x1  }
0xc0: {  	_ =	sfence.sel $0xFFFF  }
0xc1: {  	[dreg:$0x0] =	wrdreg $0xFFFFFFFF;
	(pc) =	sbr.abs _section_cstart, $3  }
0xc2: {  	[dreg:$0x1] =	wrdreg $0xFFFFFFFF  }
0xc3: {  	_ =	task.clear_ibuf [dreg:s8], $0x2FFFF;
	_ =	strace $0x9FFFFFFF  }
0xc4: {  	(tm) =	ssettm $0x7FFFFFFF  }
0xc5: {  	_ =	shalt  }
tec
execute0_lowered:
.L_overlay_start_1:
0x0: {  	(tag) =	ssettag $0x1  }
0x1: {  	s1 =	rddreg [dreg:$0x0]  }
0x2: {  	s0 =	srdreg.scid;
	s2 =	rddreg [dreg:$0x1]  }
0x3: {  	s4 =	stileid.u32;
	s7 =	rddreg [dreg:$0x2]  }
0x4: {  	s13 =	simm.s32 $0x1400;
	s31 =	simm.s32 $0x1C00;
	s12 =	simm.s32 $0x3C00  }
0x5: {  	s14 =	simm.s32 $0x4C00;
	s28 =	simm.s32 $0x6400;
	s9 =	simm.s32 $0x7C00  }
0x6: {  	s15 =	simm.s32 $0x9400;
	s29 =	simm.s32 $0x6;
	s0 =	sand.u32 $0x1, s0  }
0x7: {  	s30 =	simm.s32 $0xA;
	s4 =	sshll.u32 s4, $0xA;
	s3 =	sshll.u32 s0, $0xE  }
0x8: {  	s0 =	ssub.s32 $0x2, s0;
	s4 =	sor.u32 s4, s3;
	s3 =	simm.s32 $0x0  }
0x9: {  	s6 =	sshrl.u32 s0, $0x1;
	s4 =	sshrl.u32 s4, $0x3;
	[smem:$0x7FF] =	sst s3  }
0xa: {  	s0 =	ssub.s32 s0, s6;
	s6 =	sadd.s32 $0x200, s2;
	s5 =	smul.u32 $0x1800, s4  }
0xb: {  	_ =	strace $0x80000047;
	s1 =	sadd.s32 s4, s1;
	s0 =	smax.u32 s0, $0x1  }
0xc: {  	s21 =	smul.u32 $0x300, s4;
	s17 =	sadd.s32 $0x400, s1;
	[dreg:$0xf] =	wrdreg s0  }
0xd: {  	s1 =	sadd.s32 $0x408, s1;
	s16 =	sshrl.u32 s5, $0x3;
	[dreg:$0x5] =	wrdreg s17  }
0xe: {  	[dreg:$0x6] =	wrdreg s1;
	s1 =	sadd.s32 s21, s7;
	s8 =	sadd.s32 s7, s16  }
0xf: {  	s4 =	simm.s32 $0x2400;
	[dreg:$0x4] =	wrdreg s1;
	s18 =	sadd.s32 $0x16800, s8  }
0x10: {  	s0 =	simm.s32 $0x0;
	s19 =	sadd.s32 $0x16B00, s8;
	[dreg:$0x7] =	wrdreg s18  }
0x11: {  	s5 =	sadd.s32 $0x100, s2;
	s20 =	sadd.s32 $0x16E00, s8;
	[dreg:$0x8] =	wrdreg s19  }
0x12: {  	s21 =	simm.s32 $0x400;
	s22 =	sadd.s32 $0x17100, s8;
	[dreg:$0x9] =	wrdreg s20  }
0x13: {  	s17 =	simm.s32 $0xB400;
	s23 =	sadd.s32 $0x17400, s8;
	[dreg:$0xa] =	wrdreg s22  }
0x14: {  	s7 =	simm.s32 $0x4400;
	s24 =	sadd.s32 $0x17700, s8;
	[dreg:$0xb] =	wrdreg s23  }
0x15: {  	s16 =	simm.s32 $0xAC00;
	s25 =	sadd.s32 $0x17A00, s8;
	[dreg:$0xc] =	wrdreg s24  }
0x16: {  	s26 =	sadd.s32 $0x17D00, s8;
	s8 =	simm.s32 $0x2C00;
	[dreg:$0xd] =	wrdreg s25  }
0x17: {  	v0 =	vlaneseq.u32;
	[dreg:$0xe] =	wrdreg s26;
	s24 =	simm.s32 $0xC00;
	s18 =	simm.s32 $0x3400  }
0x18: {  	v1 =	vshrl.u32 v0, $0x3;
	s20 =	simm.s32 $0x2;
	s22 =	simm.s32 $0x3;
	s23 =	simm.s32 $0x4  }
0x19: {  	vm0 =	vmmov $0xffff;
	v0 =	vand.u32 $0x7, v0;
	v1 =	vmul.u32 $0x8, v1;
	s25 =	simm.s32 $0x5;
	s26 =	simm.s32 $0x9;
	s19 =	simm.s32 $0x1  }
.LBB2_1:
0x1a: {  	[dreg:$0x10] =	wrdreg s0  }
0x1b: {  	s11 =	rddreg [dreg:$0x5];
	s1 =	simm.s32 $0x11  }
0x1c: {  	[tilespmem:s3], [sflag:$0x11] =	stream.linear.gather [hbm4b:s11+s3], $0x40, $0x38;
	[tilespmem:$0xC400] =	vst v63  }
0x1d: {  	_ =	swait.ge [sflag:s1], $0x40  }
0x1e: {  	[sflag:s1] =	ssyncset.done $0x0  }
0x1f: {  	[sflag:s1] =	ssyncadd.s32 $0xFFFFFFC0  }
0x20: {  	v2 =	vld.msk [tilespmem:$0x0], $0xff;
	_ =	sdelay $0x4  }
0x21: {  	v3 =	vshrl.u32 v2, $0x3  }
0x22: {  	v3 =	vmul.u32 $0x30, v3  }
0x23: {  	v2 =	vand.u32 $0x7, v2  }
0x24: {  	v2 =	vor.u32 v2, v3  }
0x25: {  	v2 =	vperm.xlane v2, v0;
	_ =	sdelay $0x1  }
0x26: {  	v2 =	vadd.s32 v1, v2;
	_ =	sdelay $0x4  }
0x27: {  	[tilespmem:s21], [sflag:$0x1] =	stream.indirect_vreg.gather [hbm4b:s2+s3], $0x80, v2, vm0, $0xb8;
	[tilespmem:$0xC400] =	vst v63  }
0x28: {  	_ = 	snop  }
0x29: {  	[tilespmem:s24], [sflag:$0x1] =	stream.indirect_vreg.gather [hbm4b:s5+s3], $0x80, v2, vm0, $0xb8;
	[tilespmem:$0xC400] =	vst v63  }
0x2a: {  	_ = 	snop  }
0x2b: {  	[tilespmem:s13], [sflag:$0x1] =	stream.indirect_vreg.gather [hbm4b:s6+s3], $0x80, v2, vm0, $0xb8;
	[tilespmem:$0xC400] =	vst v63  }
0x2c: {  	v2 =	vld.msk [tilespmem:$0x8], $0xff;
	_ =	sdelay $0x4  }
0x2d: {  	v3 =	vshrl.u32 v2, $0x3  }
0x2e: {  	v3 =	vmul.u32 $0x30, v3  }
0x2f: {  	v2 =	vand.u32 $0x7, v2  }
0x30: {  	v2 =	vor.u32 v2, v3  }
0x31: {  	v2 =	vperm.xlane v2, v0;
	_ =	sdelay $0x1  }
0x32: {  	v2 =	vadd.s32 v1, v2;
	_ =	sdelay $0x4  }
0x33: {  	[tilespmem:s31], [sflag:$0x2] =	stream.indirect_vreg.gather [hbm4b:s2+s3], $0x80, v2, vm0, $0xb8;
	[tilespmem:$0xC400] =	vst v63  }
0x34: {  	_ = 	snop  }
0x35: {  	[tilespmem:s4], [sflag:$0x2] =	stream.indirect_vreg.gather [hbm4b:s5+s3], $0x80, v2, vm0, $0xb8;
	[tilespmem:$0xC400] =	vst v63  }
0x36: {  	_ = 	snop  }
0x37: {  	[tilespmem:s8], [sflag:$0x2] =	stream.indirect_vreg.gather [hbm4b:s6+s3], $0x80, v2, vm0, $0xb8;
	[tilespmem:$0xC400] =	vst v63  }
0x38: {  	v2 =	vld.msk [tilespmem:$0x10], $0xff;
	_ =	sdelay $0x4  }
0x39: {  	v3 =	vshrl.u32 v2, $0x3  }
0x3a: {  	v3 =	vmul.u32 $0x30, v3  }
0x3b: {  	v2 =	vand.u32 $0x7, v2  }
0x3c: {  	v2 =	vor.u32 v2, v3  }
0x3d: {  	v2 =	vperm.xlane v2, v0;
	_ =	sdelay $0x1  }
0x3e: {  	v2 =	vadd.s32 v1, v2;
	_ =	sdelay $0x4  }
0x3f: {  	[tilespmem:s18], [sflag:$0x3] =	stream.indirect_vreg.gather [hbm4b:s2+s3], $0x80, v2, vm0, $0xb8;
	[tilespmem:$0xC400] =	vst v63  }
0x40: {  	_ = 	snop  }
0x41: {  	[tilespmem:s12], [sflag:$0x3] =	stream.indirect_vreg.gather [hbm4b:s5+s3], $0x80, v2, vm0, $0xb8;
	[tilespmem:$0xC400] =	vst v63  }
0x42: {  	_ = 	snop  }
0x43: {  	[tilespmem:s7], [sflag:$0x3] =	stream.indirect_vreg.gather [hbm4b:s6+s3], $0x80, v2, vm0, $0xb8;
	[tilespmem:$0xC400] =	vst v63  }
0x44: {  	v2 =	vld.msk [tilespmem:$0x18], $0xff;
	_ =	sdelay $0x4  }
0x45: {  	v3 =	vshrl.u32 v2, $0x3  }
0x46: {  	v3 =	vmul.u32 $0x30, v3  }
0x47: {  	v2 =	vand.u32 $0x7, v2  }
0x48: {  	v2 =	vor.u32 v2, v3  }
0x49: {  	v2 =	vperm.xlane v2, v0;
	_ =	sdelay $0x1  }
0x4a: {  	v2 =	vadd.s32 v1, v2;
	_ =	sdelay $0x4  }
0x4b: {  	[tilespmem:s14], [sflag:$0x4] =	stream.indirect_vreg.gather [hbm4b:s2+s3], $0x80, v2, vm0, $0xb8;
	[tilespmem:$0xC400] =	vst v63  }
0x4c: {  	s8 =	simm.s32 $0x5400  }
0x4d: {  	[tilespmem:s8], [sflag:$0x4] =	stream.indirect_vreg.gather [hbm4b:s5+s3], $0x80, v2, vm0, $0xb8;
	[tilespmem:$0xC400] =	vst v63  }
0x4e: {  	s10 =	simm.s32 $0x5C00  }
0x4f: {  	[tilespmem:s10], [sflag:$0x4] =	stream.indirect_vreg.gather [hbm4b:s6+s3], $0x80, v2, vm0, $0xb8;
	[tilespmem:$0xC400] =	vst v63  }
0x50: {  	v2 =	vld.msk [tilespmem:$0x20], $0xff;
	_ =	sdelay $0x4  }
0x51: {  	v3 =	vshrl.u32 v2, $0x3  }
0x52: {  	v3 =	vmul.u32 $0x30, v3  }
0x53: {  	v2 =	vand.u32 $0x7, v2  }
0x54: {  	v2 =	vor.u32 v2, v3  }
0x55: {  	v2 =	vperm.xlane v2, v0;
	_ =	sdelay $0x1  }
0x56: {  	v2 =	vadd.s32 v1, v2;
	_ =	sdelay $0x4  }
0x57: {  	[tilespmem:s28], [sflag:$0x5] =	stream.indirect_vreg.gather [hbm4b:s2+s3], $0x80, v2, vm0, $0xb8;
	[tilespmem:$0xC400] =	vst v63  }
0x58: {  	s11 =	simm.s32 $0x6C00  }
0x59: {  	[tilespmem:s11], [sflag:$0x5] =	stream.indirect_vreg.gather [hbm4b:s5+s3], $0x80, v2, vm0, $0xb8;
	[tilespmem:$0xC400] =	vst v63  }
0x5a: {  	s12 =	simm.s32 $0x7400  }
0x5b: {  	[tilespmem:s12], [sflag:$0x5] =	stream.indirect_vreg.gather [hbm4b:s6+s3], $0x80, v2, vm0, $0xb8;
	[tilespmem:$0xC400] =	vst v63  }
0x5c: {  	v2 =	vld.msk [tilespmem:$0x28], $0xff;
	_ =	sdelay $0x4  }
0x5d: {  	v3 =	vshrl.u32 v2, $0x3  }
0x5e: {  	v3 =	vmul.u32 $0x30, v3  }
0x5f: {  	v2 =	vand.u32 $0x7, v2  }
0x60: {  	v2 =	vor.u32 v2, v3  }
0x61: {  	v2 =	vperm.xlane v2, v0;
	_ =	sdelay $0x1  }
0x62: {  	v2 =	vadd.s32 v1, v2;
	_ =	sdelay $0x4  }
0x63: {  	[tilespmem:s9], [sflag:$0x6] =	stream.indirect_vreg.gather [hbm4b:s2+s3], $0x80, v2, vm0, $0xb8;
	[tilespmem:$0xC400] =	vst v63  }
0x64: {  	s13 =	simm.s32 $0x8400  }
0x65: {  	[tilespmem:s13], [sflag:$0x6] =	stream.indirect_vreg.gather [hbm4b:s5+s3], $0x80, v2, vm0, $0xb8;
	[tilespmem:$0xC400] =	vst v63  }
0x66: {  	s14 =	simm.s32 $0x8C00  }
0x67: {  	[tilespmem:s14], [sflag:$0x6] =	stream.indirect_vreg.gather [hbm4b:s6+s3], $0x80, v2, vm0, $0xb8;
	[tilespmem:$0xC400] =	vst v63  }
0x68: {  	v2 =	vld.msk [tilespmem:$0x30], $0xff;
	_ =	sdelay $0x4  }
0x69: {  	v3 =	vshrl.u32 v2, $0x3  }
0x6a: {  	v3 =	vmul.u32 $0x30, v3  }
0x6b: {  	v2 =	vand.u32 $0x7, v2  }
0x6c: {  	v2 =	vor.u32 v2, v3  }
0x6d: {  	v2 =	vperm.xlane v2, v0;
	_ =	sdelay $0x1  }
0x6e: {  	v2 =	vadd.s32 v1, v2;
	_ =	sdelay $0x4  }
0x6f: {  	[tilespmem:s15], [sflag:$0x7] =	stream.indirect_vreg.gather [hbm4b:s2+s3], $0x80, v2, vm0, $0xb8;
	[tilespmem:$0xC400] =	vst v63  }
0x70: {  	s18 =	simm.s32 $0x9C00  }
0x71: {  	[tilespmem:s18], [sflag:$0x7] =	stream.indirect_vreg.gather [hbm4b:s5+s3], $0x80, v2, vm0, $0xb8;
	[tilespmem:$0xC400] =	vst v63  }
0x72: {  	s21 =	simm.s32 $0xA400  }
0x73: {  	[tilespmem:s21], [sflag:$0x7] =	stream.indirect_vreg.gather [hbm4b:s6+s3], $0x80, v2, vm0, $0xb8;
	[tilespmem:$0xC400] =	vst v63  }
0x74: {  	v2 =	vld.msk [tilespmem:$0x38], $0xff;
	_ =	sdelay $0x4  }
0x75: {  	v3 =	vshrl.u32 v2, $0x3  }
0x76: {  	v3 =	vmul.u32 $0x30, v3  }
0x77: {  	v2 =	vand.u32 $0x7, v2  }
0x78: {  	v2 =	vor.u32 v2, v3  }
0x79: {  	v2 =	vperm.xlane v2, v0;
	_ =	sdelay $0x1  }
0x7a: {  	v2 =	vadd.s32 v1, v2;
	_ =	sdelay $0x4  }
0x7b: {  	[tilespmem:s16], [sflag:$0x8] =	stream.indirect_vreg.gather [hbm4b:s2+s3], $0x80, v2, vm0, $0xb8;
	[tilespmem:$0xC400] =	vst v63  }
0x7c: {  	_ = 	snop  }
0x7d: {  	[tilespmem:s17], [sflag:$0x8] =	stream.indirect_vreg.gather [hbm4b:s5+s3], $0x80, v2, vm0, $0xb8;
	[tilespmem:$0xC400] =	vst v63  }
0x7e: {  	s24 =	simm.s32 $0xBC00  }
0x7f: {  	[tilespmem:s24], [sflag:$0x8] =	stream.indirect_vreg.gather [hbm4b:s6+s3], $0x80, v2, vm0, $0xb8;
	[tilespmem:$0xC400] =	vst v63  }
0x80: {  	s31 =	simm.s32 $0x40;
	s28 =	rddreg [dreg:$0x6]  }
0x81: {  	[tilespmem:s31], [sflag:$0x11] =	stream.linear.gather [hbm4b:s28+s3], $0x3C0, $0x38;
	[tilespmem:$0xC400] =	vst v63  }
0x82: {  	s0 =	simm.s32 $0xB;
	s7 =	simm.s32 $0x8;
	_ =	swait.ge [sflag:s1], $0x3C0  }
0x83: {  	s8 =	simm.s32 $0xC;
	s11 =	simm.s32 $0x78;
	[sflag:s1] =	ssyncset.done $0x0  }
0x84: {  	s13 =	simm.s32 $0x0;
	[sflag:s1] =	ssyncadd.s32 $0xFFFFFC40;
	s1 =	simm.s32 $0x7  }
.LBB2_2:
0x85: {  	_ =	swait.ge [sflag:s19], $0x1800  }
0x86: {  	s14 =	rddreg [dreg:$0x4];
	[sflag:s19] =	ssyncset.done $0x0  }
0x87: {  	s24 =	simm.s32 $0x400;
	[sflag:s19] =	ssyncadd.s32 $0xFFFFE800;
	s14 =	sadd.s32 s13, s14  }
0x88: {  	[hbm4b:s14+s3] =	stream.linear.scatter [tilespmem:s24], [sflag:$0x9], $0x1800, $0x38;
	[tilespmem:$0xC400] =	vst v63  }
0x89: {  	_ =	swait.ge [sflag:s20], $0x1800  }
0x8a: {  	[sflag:s20] =	ssyncset.done $0x0  }
0x8b: {  	s4 =	simm.s32 $0x1C00;
	s18 =	sadd.s32 $0x300, s14;
	[sflag:s20] =	ssyncadd.s32 $0xFFFFE800  }
0x8c: {  	[hbm4b:s18+s3] =	stream.linear.scatter [tilespmem:s4], [sflag:$0xA], $0x1800, $0x38;
	[tilespmem:$0xC400] =	vst v63  }
0x8d: {  	_ =	swait.ge [sflag:s22], $0x1800  }
0x8e: {  	[sflag:s22] =	ssyncset.done $0x0  }
0x8f: {  	s12 =	simm.s32 $0x3400;
	s10 =	sadd.s32 $0x600, s14;
	[sflag:s22] =	ssyncadd.s32 $0xFFFFE800  }
0x90: {  	[hbm4b:s10+s3] =	stream.linear.scatter [tilespmem:s12], [sflag:$0xB], $0x1800, $0x38;
	[tilespmem:$0xC400] =	vst v63  }
0x91: {  	_ =	swait.ge [sflag:s23], $0x1800  }
0x92: {  	[sflag:s23] =	ssyncset.done $0x0  }
0x93: {  	s28 =	simm.s32 $0x4C00;
	s15 =	sadd.s32 $0x900, s14;
	[sflag:s23] =	ssyncadd.s32 $0xFFFFE800  }
0x94: {  	[hbm4b:s15+s3] =	stream.linear.scatter [tilespmem:s28], [sflag:$0xC], $0x1800, $0x38;
	[tilespmem:$0xC400] =	vst v63  }
0x95: {  	_ =	swait.ge [sflag:s25], $0x1800  }
0x96: {  	[sflag:s25] =	ssyncset.done $0x0  }
0x97: {  	s9 =	simm.s32 $0x6400;
	s16 =	sadd.s32 $0xC00, s14;
	[sflag:s25] =	ssyncadd.s32 $0xFFFFE800  }
0x98: {  	[hbm4b:s16+s3] =	stream.linear.scatter [tilespmem:s9], [sflag:$0xD], $0x1800, $0x38;
	[tilespmem:$0xC400] =	vst v63  }
0x99: {  	_ =	swait.ge [sflag:s26], $0x1800  }
0x9a: {  	[sflag:s26] =	ssyncset.done $0x0  }
0x9b: {  	[sflag:s26] =	ssyncadd.s32 $0xFFFFE800  }
0x9c: {  	v2 =	vld.msk [tilespmem:s11+$0xFFFFFFC8], $0xff;
	_ =	sdelay $0x4  }
0x9d: {  	v3 =	vshrl.u32 v2, $0x3  }
0x9e: {  	v3 =	vmul.u32 $0x30, v3  }
0x9f: {  	v2 =	vand.u32 $0x7, v2  }
0xa0: {  	v2 =	vor.u32 v2, v3  }
0xa1: {  	v2 =	vperm.xlane v2, v0;
	_ =	sdelay $0x1  }
0xa2: {  	v2 =	vadd.s32 v1, v2;
	_ =	sdelay $0x4  }
0xa3: {  	[tilespmem:s24], [sflag:$0x1] =	stream.indirect_vreg.gather [hbm4b:s2+s3], $0x80, v2, vm0, $0xb8;
	[tilespmem:$0xC400] =	vst v63  }
0xa4: {  	s24 =	simm.s32 $0xC00  }
0xa5: {  	[tilespmem:s24], [sflag:$0x1] =	stream.indirect_vreg.gather [hbm4b:s5+s3], $0x80, v2, vm0, $0xb8;
	[tilespmem:$0xC400] =	vst v63  }
0xa6: {  	s10 =	simm.s32 $0x1400  }
0xa7: {  	[tilespmem:s10], [sflag:$0x1] =	stream.indirect_vreg.gather [hbm4b:s6+s3], $0x80, v2, vm0, $0xb8;
	[tilespmem:$0xC400] =	vst v63  }
0xa8: {  	_ =	swait.ge [sflag:s29], $0x1800  }
0xa9: {  	[sflag:s29] =	ssyncset.done $0x0  }
0xaa: {  	s17 =	sadd.s32 $0xF00, s14;
	s15 =	simm.s32 $0x7C00;
	[sflag:s29] =	ssyncadd.s32 $0xFFFFE800  }
0xab: {  	[hbm4b:s17+s3] =	stream.linear.scatter [tilespmem:s15], [sflag:$0xE], $0x1800, $0x38;
	[tilespmem:$0xC400] =	vst v63  }
0xac: {  	_ =	swait.ge [sflag:s30], $0x1800  }
0xad: {  	[sflag:s30] =	ssyncset.done $0x0  }
0xae: {  	[sflag:s30] =	ssyncadd.s32 $0xFFFFE800  }
0xaf: {  	v2 =	vld.msk [tilespmem:s11+$0xFFFFFFD0], $0xff;
	_ =	sdelay $0x4  }
0xb0: {  	v3 =	vshrl.u32 v2, $0x3  }
0xb1: {  	v3 =	vmul.u32 $0x30, v3  }
0xb2: {  	v2 =	vand.u32 $0x7, v2  }
0xb3: {  	v2 =	vor.u32 v2, v3  }
0xb4: {  	v2 =	vperm.xlane v2, v0;
	_ =	sdelay $0x1  }
0xb5: {  	v2 =	vadd.s32 v1, v2;
	_ =	sdelay $0x4  }
0xb6: {  	[tilespmem:s4], [sflag:$0x2] =	stream.indirect_vreg.gather [hbm4b:s2+s3], $0x80, v2, vm0, $0xb8;
	[tilespmem:$0xC400] =	vst v63  }
0xb7: {  	s4 =	simm.s32 $0x2400  }
0xb8: {  	[tilespmem:s4], [sflag:$0x2] =	stream.indirect_vreg.gather [hbm4b:s5+s3], $0x80, v2, vm0, $0xb8;
	[tilespmem:$0xC400] =	vst v63  }
0xb9: {  	s18 =	simm.s32 $0x2C00  }
0xba: {  	[tilespmem:s18], [sflag:$0x2] =	stream.indirect_vreg.gather [hbm4b:s6+s3], $0x80, v2, vm0, $0xb8;
	[tilespmem:$0xC400] =	vst v63  }
0xbb: {  	_ =	swait.ge [sflag:s1], $0x1800  }
0xbc: {  	[sflag:s1] =	ssyncset.done $0x0  }
0xbd: {  	s16 =	simm.s32 $0x9400;
	s10 =	sadd.s32 $0x1200, s14;
	[sflag:s1] =	ssyncadd.s32 $0xFFFFE800  }
0xbe: {  	[hbm4b:s10+s3] =	stream.linear.scatter [tilespmem:s16], [sflag:$0xF], $0x1800, $0x38;
	[tilespmem:$0xC400] =	vst v63  }
0xbf: {  	_ =	swait.ge [sflag:s0], $0x1800  }
0xc0: {  	[sflag:s0] =	ssyncset.done $0x0  }
0xc1: {  	[sflag:s0] =	ssyncadd.s32 $0xFFFFE800  }
0xc2: {  	v2 =	vld.msk [tilespmem:s11+$0xFFFFFFD8], $0xff;
	_ =	sdelay $0x4  }
0xc3: {  	v3 =	vshrl.u32 v2, $0x3  }
0xc4: {  	v3 =	vmul.u32 $0x30, v3  }
0xc5: {  	v2 =	vand.u32 $0x7, v2  }
0xc6: {  	v2 =	vor.u32 v2, v3  }
0xc7: {  	v2 =	vperm.xlane v2, v0;
	_ =	sdelay $0x1  }
0xc8: {  	v2 =	vadd.s32 v1, v2;
	_ =	sdelay $0x4  }
0xc9: {  	[tilespmem:s12], [sflag:$0x3] =	stream.indirect_vreg.gather [hbm4b:s2+s3], $0x80, v2, vm0, $0xb8;
	[tilespmem:$0xC400] =	vst v63  }
0xca: {  	s12 =	simm.s32 $0x3C00  }
0xcb: {  	[tilespmem:s12], [sflag:$0x3] =	stream.indirect_vreg.gather [hbm4b:s5+s3], $0x80, v2, vm0, $0xb8;
	[tilespmem:$0xC400] =	vst v63  }
0xcc: {  	s17 =	simm.s32 $0x4400  }
0xcd: {  	[tilespmem:s17], [sflag:$0x3] =	stream.indirect_vreg.gather [hbm4b:s6+s3], $0x80, v2, vm0, $0xb8;
	[tilespmem:$0xC400] =	vst v63  }
0xce: {  	_ =	swait.ge [sflag:s7], $0x1800  }
0xcf: {  	[sflag:s7] =	ssyncset.done $0x0  }
0xd0: {  	s14 =	sadd.s32 $0x1500, s14;
	s17 =	simm.s32 $0xAC00;
	[sflag:s7] =	ssyncadd.s32 $0xFFFFE800  }
0xd1: {  	[hbm4b:s14+s3] =	stream.linear.scatter [tilespmem:s17], [sflag:$0x10], $0x1800, $0x38;
	[tilespmem:$0xC400] =	vst v63  }
0xd2: {  	_ =	swait.ge [sflag:s8], $0x1800  }
0xd3: {  	[sflag:s8] =	ssyncset.done $0x0  }
0xd4: {  	[sflag:s8] =	ssyncadd.s32 $0xFFFFE800  }
0xd5: {  	v2 =	vld.msk [tilespmem:s11+$0xFFFFFFE0], $0xff;
	_ =	sdelay $0x4  }
0xd6: {  	v3 =	vshrl.u32 v2, $0x3  }
0xd7: {  	v3 =	vmul.u32 $0x30, v3  }
0xd8: {  	v2 =	vand.u32 $0x7, v2  }
0xd9: {  	v2 =	vor.u32 v2, v3  }
0xda: {  	v2 =	vperm.xlane v2, v0;
	_ =	sdelay $0x1  }
0xdb: {  	v2 =	vadd.s32 v1, v2;
	_ =	sdelay $0x4  }
0xdc: {  	[tilespmem:s28], [sflag:$0x4] =	stream.indirect_vreg.gather [hbm4b:s2+s3], $0x80, v2, vm0, $0xb8;
	[tilespmem:$0xC400] =	vst v63  }
0xdd: {  	s28 =	simm.s32 $0x5400  }
0xde: {  	[tilespmem:s28], [sflag:$0x4] =	stream.indirect_vreg.gather [hbm4b:s5+s3], $0x80, v2, vm0, $0xb8;
	[tilespmem:$0xC400] =	vst v63  }
0xdf: {  	s10 =	simm.s32 $0xD;
	s28 =	simm.s32 $0x5C00  }
0xe0: {  	[tilespmem:s28], [sflag:$0x4] =	stream.indirect_vreg.gather [hbm4b:s6+s3], $0x80, v2, vm0, $0xb8;
	[tilespmem:$0xC400] =	vst v63  }
0xe1: {  	_ =	swait.ge [sflag:s10], $0x1800  }
0xe2: {  	[sflag:s10] =	ssyncset.done $0x0  }
0xe3: {  	[sflag:s10] =	ssyncadd.s32 $0xFFFFE800  }
0xe4: {  	v2 =	vld.msk [tilespmem:s11+$0xFFFFFFE8], $0xff;
	_ =	sdelay $0x4  }
0xe5: {  	v3 =	vshrl.u32 v2, $0x3  }
0xe6: {  	v3 =	vmul.u32 $0x30, v3  }
0xe7: {  	v2 =	vand.u32 $0x7, v2  }
0xe8: {  	v2 =	vor.u32 v2, v3  }
0xe9: {  	v2 =	vperm.xlane v2, v0;
	_ =	sdelay $0x1  }
0xea: {  	v2 =	vadd.s32 v1, v2;
	_ =	sdelay $0x4  }
0xeb: {  	[tilespmem:s9], [sflag:$0x5] =	stream.indirect_vreg.gather [hbm4b:s2+s3], $0x80, v2, vm0, $0xb8;
	[tilespmem:$0xC400] =	vst v63  }
0xec: {  	s10 =	simm.s32 $0x6C00  }
0xed: {  	[tilespmem:s10], [sflag:$0x5] =	stream.indirect_vreg.gather [hbm4b:s5+s3], $0x80, v2, vm0, $0xb8;
	[tilespmem:$0xC400] =	vst v63  }
0xee: {  	s10 =	simm.s32 $0x7400  }
0xef: {  	[tilespmem:s10], [sflag:$0x5] =	stream.indirect_vreg.gather [hbm4b:s6+s3], $0x80, v2, vm0, $0xb8;
	[tilespmem:$0xC400] =	vst v63  }
0xf0: {  	s10 =	simm.s32 $0xE  }
0xf1: {  	_ =	swait.ge [sflag:s10], $0x1800  }
0xf2: {  	[sflag:s10] =	ssyncset.done $0x0  }
0xf3: {  	[sflag:s10] =	ssyncadd.s32 $0xFFFFE800  }
0xf4: {  	v2 =	vld.msk [tilespmem:s11+$0xFFFFFFF0], $0xff;
	_ =	sdelay $0x4  }
0xf5: {  	v3 =	vshrl.u32 v2, $0x3  }
0xf6: {  	v3 =	vmul.u32 $0x30, v3  }
0xf7: {  	v2 =	vand.u32 $0x7, v2  }
0xf8: {  	v2 =	vor.u32 v2, v3  }
0xf9: {  	v2 =	vperm.xlane v2, v0;
	_ =	sdelay $0x1  }
0xfa: {  	v2 =	vadd.s32 v1, v2;
	_ =	sdelay $0x4  }
0xfb: {  	[tilespmem:s15], [sflag:$0x6] =	stream.indirect_vreg.gather [hbm4b:s2+s3], $0x80, v2, vm0, $0xb8;
	[tilespmem:$0xC400] =	vst v63  }
0xfc: {  	s10 =	simm.s32 $0x8400  }
0xfd: {  	[tilespmem:s10], [sflag:$0x6] =	stream.indirect_vreg.gather [hbm4b:s5+s3], $0x80, v2, vm0, $0xb8;
	[tilespmem:$0xC400] =	vst v63  }
0xfe: {  	s10 =	simm.s32 $0x8C00  }
0xff: {  	[tilespmem:s10], [sflag:$0x6] =	stream.indirect_vreg.gather [hbm4b:s6+s3], $0x80, v2, vm0, $0xb8;
	[tilespmem:$0xC400] =	vst v63  }
0x100: {  	s10 =	simm.s32 $0xF  }
0x101: {  	_ =	swait.ge [sflag:s10], $0x1800  }
0x102: {  	[sflag:s10] =	ssyncset.done $0x0  }
0x103: {  	[sflag:s10] =	ssyncadd.s32 $0xFFFFE800  }
0x104: {  	v2 =	vld.msk [tilespmem:s11+$0xFFFFFFF8], $0xff;
	_ =	sdelay $0x4  }
0x105: {  	v3 =	vshrl.u32 v2, $0x3  }
0x106: {  	v3 =	vmul.u32 $0x30, v3  }
0x107: {  	v2 =	vand.u32 $0x7, v2  }
0x108: {  	v2 =	vor.u32 v2, v3  }
0x109: {  	v2 =	vperm.xlane v2, v0;
	_ =	sdelay $0x1  }
0x10a: {  	v2 =	vadd.s32 v1, v2;
	_ =	sdelay $0x4  }
0x10b: {  	[tilespmem:s16], [sflag:$0x7] =	stream.indirect_vreg.gather [hbm4b:s2+s3], $0x80, v2, vm0, $0xb8;
	[tilespmem:$0xC400] =	vst v63  }
0x10c: {  	s10 =	simm.s32 $0x9C00  }
0x10d: {  	[tilespmem:s10], [sflag:$0x7] =	stream.indirect_vreg.gather [hbm4b:s5+s3], $0x80, v2, vm0, $0xb8;
	[tilespmem:$0xC400] =	vst v63  }
0x10e: {  	s10 =	simm.s32 $0xA400  }
0x10f: {  	[tilespmem:s10], [sflag:$0x7] =	stream.indirect_vreg.gather [hbm4b:s6+s3], $0x80, v2, vm0, $0xb8;
	[tilespmem:$0xC400] =	vst v63  }
0x110: {  	s10 =	simm.s32 $0x10  }
0x111: {  	_ =	swait.ge [sflag:s10], $0x1800  }
0x112: {  	[sflag:s10] =	ssyncset.done $0x0  }
0x113: {  	[sflag:s10] =	ssyncadd.s32 $0xFFFFE800  }
0x114: {  	v2 =	vld.msk [tilespmem:s11+$0x0], $0xff;
	_ =	sdelay $0x4  }
0x115: {  	v3 =	vshrl.u32 v2, $0x3  }
0x116: {  	v3 =	vmul.u32 $0x30, v3  }
0x117: {  	v2 =	vand.u32 $0x7, v2  }
0x118: {  	v2 =	vor.u32 v2, v3  }
0x119: {  	v2 =	vperm.xlane v2, v0;
	_ =	sdelay $0x1  }
0x11a: {  	v2 =	vadd.s32 v1, v2;
	_ =	sdelay $0x2  }
0x11b: {  	s21 =	simm.s32 $0x400;
	s31 =	simm.s32 $0x1C00  }
0x11c: {  	p0 =	sne.s32 s13, $0x15000;
	s13 =	sadd.s32 $0x1800, s13;
	s18 =	simm.s32 $0x3400  }
0x11d: {  	[tilespmem:s17], [sflag:$0x8] =	stream.indirect_vreg.gather [hbm4b:s2+s3], $0x80, v2, vm0, $0xb8;
	[tilespmem:$0xC400] =	vst v63  }
.Ltmp0:
0x11e: {  	s14 =	simm.s32 $0x4C00;
	s28 =	simm.s32 $0x6400;
	(pc) =	sbr.rel @p0 .LBB2_2-.Ltmp0, $4  }
0x11f: {  	s9 =	simm.s32 $0x7C00;
	s15 =	simm.s32 $0x9400;
	s17 =	simm.s32 $0xB400  }
0x120: {  	[tilespmem:s17], [sflag:$0x8] =	stream.indirect_vreg.gather [hbm4b:s5+s3], $0x80, v2, vm0, $0xb8;
	[tilespmem:$0xC400] =	vst v63  }
0x121: {  	s16 =	simm.s32 $0xAC00;
	s10 =	simm.s32 $0xBC00;
	s11 =	sadd.s32 $0x40, s11  }
0x122: {  	[tilespmem:s10], [sflag:$0x8] =	stream.indirect_vreg.gather [hbm4b:s6+s3], $0x80, v2, vm0, $0xb8;
	[tilespmem:$0xC400] =	vst v63  }
0x123: {  	_ =	swait.ge [sflag:s19], $0x1800  }
0x124: {  	[sflag:s19] =	ssyncset.done $0x0  }
0x125: {  	s11 =	rddreg [dreg:$0x7];
	[sflag:s19] =	ssyncadd.s32 $0xFFFFE800  }
0x126: {  	[hbm4b:s11+s3] =	stream.linear.scatter [tilespmem:s21], [sflag:$0x9], $0x1800, $0x38;
	[tilespmem:$0xC400] =	vst v63  }
0x127: {  	_ =	swait.ge [sflag:s20], $0x1800  }
0x128: {  	[sflag:s20] =	ssyncset.done $0x0  }
0x129: {  	s13 =	rddreg [dreg:$0x8];
	[sflag:s20] =	ssyncadd.s32 $0xFFFFE800  }
0x12a: {  	[hbm4b:s13+s3] =	stream.linear.scatter [tilespmem:s31], [sflag:$0xA], $0x1800, $0x38;
	[tilespmem:$0xC400] =	vst v63  }
0x12b: {  	_ =	swait.ge [sflag:s22], $0x1800  }
0x12c: {  	[sflag:s22] =	ssyncset.done $0x0  }
0x12d: {  	s10 =	rddreg [dreg:$0x9];
	[sflag:s22] =	ssyncadd.s32 $0xFFFFE800  }
0x12e: {  	[hbm4b:s10+s3] =	stream.linear.scatter [tilespmem:s18], [sflag:$0xB], $0x1800, $0x38;
	[tilespmem:$0xC400] =	vst v63  }
0x12f: {  	_ =	swait.ge [sflag:s23], $0x1800  }
0x130: {  	[sflag:s23] =	ssyncset.done $0x0  }
0x131: {  	s13 =	rddreg [dreg:$0xa];
	[sflag:s23] =	ssyncadd.s32 $0xFFFFE800  }
0x132: {  	[hbm4b:s13+s3] =	stream.linear.scatter [tilespmem:s14], [sflag:$0xC], $0x1800, $0x38;
	[tilespmem:$0xC400] =	vst v63  }
0x133: {  	_ =	swait.ge [sflag:s25], $0x1800  }
0x134: {  	[sflag:s25] =	ssyncset.done $0x0  }
0x135: {  	s10 =	rddreg [dreg:$0xb];
	[sflag:s25] =	ssyncadd.s32 $0xFFFFE800  }
0x136: {  	[hbm4b:s10+s3] =	stream.linear.scatter [tilespmem:s28], [sflag:$0xD], $0x1800, $0x38;
	[tilespmem:$0xC400] =	vst v63  }
0x137: {  	_ =	swait.ge [sflag:s29], $0x1800  }
0x138: {  	[sflag:s29] =	ssyncset.done $0x0  }
0x139: {  	s13 =	rddreg [dreg:$0xc];
	[sflag:s29] =	ssyncadd.s32 $0xFFFFE800  }
0x13a: {  	[hbm4b:s13+s3] =	stream.linear.scatter [tilespmem:s9], [sflag:$0xE], $0x1800, $0x38;
	[tilespmem:$0xC400] =	vst v63  }
0x13b: {  	_ =	swait.ge [sflag:s1], $0x1800  }
0x13c: {  	[sflag:s1] =	ssyncset.done $0x0  }
0x13d: {  	s10 =	rddreg [dreg:$0xd];
	[sflag:s1] =	ssyncadd.s32 $0xFFFFE800  }
0x13e: {  	[hbm4b:s10+s3] =	stream.linear.scatter [tilespmem:s15], [sflag:$0xF], $0x1800, $0x38;
	[tilespmem:$0xC400] =	vst v63  }
0x13f: {  	_ =	swait.ge [sflag:s7], $0x1800  }
0x140: {  	[sflag:s7] =	ssyncset.done $0x0  }
0x141: {  	s13 =	rddreg [dreg:$0xe];
	[sflag:s7] =	ssyncadd.s32 $0xFFFFE800  }
0x142: {  	[hbm4b:s13+s3] =	stream.linear.scatter [tilespmem:s16], [sflag:$0x10], $0x1800, $0x38;
	[tilespmem:$0xC400] =	vst v63  }
0x143: {  	_ =	swait.ge [sflag:s26], $0x1800  }
0x144: {  	[sflag:s26] =	ssyncset.done $0x0  }
0x145: {  	[sflag:s26] =	ssyncadd.s32 $0xFFFFE800  }
0x146: {  	_ =	swait.ge [sflag:s30], $0x1800  }
0x147: {  	[sflag:s30] =	ssyncset.done $0x0  }
0x148: {  	[sflag:s30] =	ssyncadd.s32 $0xFFFFE800  }
0x149: {  	_ =	swait.ge [sflag:s0], $0x1800  }
0x14a: {  	[sflag:s0] =	ssyncset.done $0x0  }
0x14b: {  	[sflag:s0] =	ssyncadd.s32 $0xFFFFE800  }
0x14c: {  	_ =	swait.ge [sflag:s8], $0x1800  }
0x14d: {  	[sflag:s8] =	ssyncset.done $0x0  }
0x14e: {  	s1 =	simm.s32 $0xD;
	[sflag:s8] =	ssyncadd.s32 $0xFFFFE800  }
0x14f: {  	_ =	swait.ge [sflag:s1], $0x1800  }
0x150: {  	[sflag:s1] =	ssyncset.done $0x0  }
0x151: {  	s7 =	simm.s32 $0xE;
	[sflag:s1] =	ssyncadd.s32 $0xFFFFE800  }
0x152: {  	_ =	swait.ge [sflag:s7], $0x1800  }
0x153: {  	[sflag:s7] =	ssyncset.done $0x0  }
0x154: {  	s8 =	simm.s32 $0xF;
	[sflag:s7] =	ssyncadd.s32 $0xFFFFE800  }
0x155: {  	_ =	swait.ge [sflag:s8], $0x1800  }
0x156: {  	[sflag:s8] =	ssyncset.done $0x0  }
0x157: {  	s10 =	simm.s32 $0x10;
	[sflag:s8] =	ssyncadd.s32 $0xFFFFE800  }
0x158: {  	_ =	swait.ge [sflag:s10], $0x1800  }
0x159: {  	s11 =	rddreg [dreg:$0x10]  }
0x15a: {  	s13 =	rddreg [dreg:$0xf];
	s0 =	sadd.s32 $0x1, s11  }
0x15b: {  	p0 =	sne.s32 s0, s13  }
.Ltmp1:
0x15c: {  	_ = 	snop;
	(pc) =	sbr.rel @p0 .LBB2_1-.Ltmp1, $3  }
0x15d: {  	_ =	sdelay $0x1  }
0x15e: {  	s7 =	simm.s32 $0x4400;
	[sflag:s10] =	ssyncset.done $0x0  }
0x15f: {  	s8 =	simm.s32 $0x2C00;
	[sflag:s10] =	ssyncadd.s32 $0xFFFFE800;
	s13 =	simm.s32 $0x1400  }
0x160: {  	_ =	sfence.sel $0x180000  }
0x161: {  	[bflag:$0x0] =	sbarrier.arrive $0xFFFF  }
0x162: {  	_ =	strace $0x90000047  }
0x163: {  	s0 =	stileid.u32;
	[bflag:$0x2] =	sbarrier.arrive $0xFFFF  }
0x164: {  	p0 =	sne.s32 s0, $0x0;
	s0 =	rddreg [dreg:$0x3]  }
0x165: {  	s0 =	sadd.s32 @!p0 $0x100000, s0  }
0x166: {  	[sflag:s0] =	ssyncadd.tile.s32 @!p0 $0x1;
	_ =	shalt  }
.Lfunc_end2:
_tile_overlayer_lowered:
.L_overlay_start_2:
0x167: {  	(tag) =	ssettag $0x2  }
0x168: {  	s0 =	rddreg [dreg:$0x0];
	s2 =	stileid.u32  }
0x169: {  	s1 =	rddreg [dreg:$0x1];
	p0 =	sne.s32 s2, $0x0  }
0x16a: {  	s3 =	rddreg [dreg:$0x2];
	[bflag:$0x3] =	sbarrier.arrive $0xFFFF;
	s2 =	simm.s32 @!p0 $0x1C11  }
0x16b: {  	[timem:s3], [sflag:s2] =	dma.local @!p0 [hbm:s0], s1  }
0x16c: {  	s0 =	simm.s32 @!p0 $0x11  }
0x16d: {  	_ =	swait.ge @!p0 [sflag:s0], s1  }
0x16e: {  	s1 =	ssub.s32 @!p0 $0x0, s1;
	[sflag:s0] =	ssyncset.done @!p0 $0x0  }
0x16f: {  	[sflag:s0] =	ssyncadd.s32 @!p0 s1  }
0x170: {  	[bflag:$0x3] =	sbarrier.arrive $0xFFFF  }
0x171: {  	_ =	shalt  }

</sc_bundles>
